<compile_context>
chip_gen: v7x
topology: tpu7x:2x2x1
jax: 0.10.2.dev20260603
libtpu: 0.0.44.dev20260713+nightly
codegen_flags: <defaults>
</compile_context>

<pallas_src>
import functools

import jax
import jax.numpy as jnp
from jax import lax
from jax.experimental import pallas as pl
from jax.experimental.pallas import tpu as pltpu
from jax.experimental.pallas import tpu_sc as plsc

_A = 2048
_D = 128
_B = 512
_S = 256

_NC, _NS, _L = 2, 16, 16
_NW = _NC * _NS
_APW = _A // _NW


_sc_mesh = plsc.VectorSubcoreMesh(core_axis_name="c", subcore_axis_name="s")


_GDN = lax.GatherDimensionNumbers(
    offset_dims=(), collapsed_slice_dims=(0,), start_index_map=(0,))


def _lane_bcast(v, idx_vec):
    return lax.gather(v, idx_vec[:, None], _GDN, (1,),
                      mode=lax.GatherScatterMode.PROMISE_IN_BOUNDS)


@functools.partial(
    pl.kernel,
    mesh=_sc_mesh,
    out_type=jax.ShapeDtypeStruct((_A,), jnp.int32),
    scratch_types=[
        pltpu.VMEM((_A,), jnp.int32),
        pltpu.VMEM((_APW,), jnp.int32),
    ],
)
def _sc_rank(d_hbm, rank_hbm, d_v, rank_v):
    wid = lax.axis_index("c") * _NS + lax.axis_index("s")
    base = wid * _APW
    pltpu.sync_copy(d_hbm, d_v)

    nk = _APW // _L
    iota = lax.iota(jnp.int32, _L)
    bc = [jnp.full((_L,), r, jnp.int32) for r in range(_L)]
    cr = [jnp.full((_L,), r, jnp.int32) - iota for r in range(_L)]
    sixteen = jnp.full((_L,), _L, jnp.int32)
    zero = jnp.zeros((_L,), jnp.int32)
    cs = base // _L

    def make_sweep(thr):
        def body(j16, accs):
            dj = d_v[pl.ds(j16 * _L, _L)]
            accs = list(accs)
            for r in range(_L):
                bj = _lane_bcast(dj, bc[r])
                accs[r % 4] = accs[r % 4] + ((bj - thr) >> 31)
            return tuple(accs)
        return body

    def kbody(kk, kbv):
        bak = d_v[pl.ds(base + kk * _L, _L)]
        ba1k = bak + 1
        accs = (zero, zero, zero, zero)
        accs = lax.fori_loop(0, cs, make_sweep(ba1k), accs)

        def midbody(u, carry):
            accs, ubv = carry
            dj = d_v[pl.ds(base + u * _L, _L)]
            ofs = ubv - kbv
            accs = list(accs)
            for r in range(_L):
                bj = _lane_bcast(dj, bc[r])
                diff = jnp.minimum(jnp.maximum(bj - bak, -1), 1)
                t = (diff << 12) + ofs + cr[r]
                accs[r % 4] = accs[r % 4] + (t >> 31)
            return (tuple(accs), ubv + sixteen)

        accs, _ = lax.fori_loop(0, nk, midbody, (accs, zero))
        accs = lax.fori_loop(cs + nk, _A // _L, make_sweep(bak), accs)
        cnt = (accs[0] + accs[1]) + (accs[2] + accs[3])
        rank_v[pl.ds(kk * _L, _L)] = -cnt
        return kbv + sixteen

    lax.fori_loop(0, nk, kbody, zero)

    pltpu.sync_copy(rank_v, rank_hbm.at[pl.ds(base, _APW)])


def _decode_body(rank_ref, x_ref, basis_ref, out_ref):
    rank = rank_ref[...]
    iot = lax.broadcasted_iota(jnp.int32, (_S, _A), 0)
    onehot = jnp.where(iot == rank, 1.0, 0.0)
    bsel = jnp.dot(onehot, basis_ref[...],
                   preferred_element_type=jnp.float32)
    out_ref[...] = jnp.dot(x_ref[...], bsel,
                           preferred_element_type=jnp.float32)


_decode_call = pl.pallas_call(
    _decode_body,
    out_shape=jax.ShapeDtypeStruct((_B, _D), jnp.float32),
)


def kernel(x, basis):
    B, S = x.shape
    A, D = basis.shape
    assert (A, D, B, S) == (_A, _D, _B, _S)
    d = jnp.sqrt(jnp.sum((basis - basis[0:1, :]) ** 2, axis=1))
    dbits = lax.bitcast_convert_type(d, jnp.int32)
    rank = _sc_rank(dbits)
    out = _decode_call(rank.reshape(1, _A), x, basis)
    return out.reshape(B, D, 1, 1)

# --- scband reference (transcript-rebuilt; emitter-appended) ---
"""Pipeline reference for scband-lcc-sampling-59047210385572 (READ-ONLY COPY).

The authoritative reference and input builder live on the scoring server;
editing this copy changes nothing except your own understanding.
"""

import jax, jax.numpy as jnp
import numpy as np

ANCHOR_NUM = 2048
LATENT_DIM = 128
BATCH = 512
SPARSITY = 256


def setup_inputs(seed: int = 0) -> dict:
    key = jax.random.key(seed)
    k1, k2 = jax.random.split(key)
    x = jax.random.normal(k1, (BATCH, SPARSITY), dtype=jnp.float32)
    # learned buffer 'basis' sized per init_kwargs (anchor_num, latent_dim)
    basis = jax.random.normal(k2, (ANCHOR_NUM, LATENT_DIM), dtype=jnp.float32) * 0.02
    return {"x": x, "basis": basis}


def reference(x, basis):
    # Faithful translation of lcc_sampling.forward in eval mode
    # (self.training == False -> index = zeros, matching deterministic inference path).
    B, S = x.shape
    A, D = basis.shape
    index = jnp.zeros((B,), dtype=jnp.int32)
    basis_select = jnp.take(basis, index, axis=0)  # [B, D]
    # distance = torch.norm(basis_expand - select_expand, 2, 2) -> [B, A]
    diff = basis[None, :, :] - basis_select[:, None, :]  # [B, A, D]
    distance = jnp.sqrt(jnp.sum(diff * diff, axis=2))  # [B, A]
    # _, indices = torch.sort(distance); indices[:, 0:sparsity]
    indices = jnp.argsort(distance, axis=1)[:, :S]  # [B, S] int
    # out = zeros(B, A).scatter_(1, indices, x)
    out = jnp.zeros((B, A), dtype=x.dtype)
    out = out.at[jnp.arange(B)[:, None], indices].set(x)
    # out = torch.mm(out, basis)
    out = jnp.dot(out, basis)  # [B, D]
    return out.reshape(B, D, 1, 1)

if __name__ == "__main__":
    import jax
    _d = setup_inputs()
    print(jax.jit(kernel)(*tuple(_d.values())))

</pallas_src>

<mosaic_0001>
#map = affine_map<(d0, d1) -> (0)>
module attributes {stable_mosaic.version = 14 : i64} {
  func.func @_sc_rank(%arg0: i32, %arg1: i32, %arg2: memref<2048xi32, #tpu.memory_space<hbm>>, %arg3: memref<2048xi32, #tpu.memory_space<hbm>>, %arg4: memref<2048xi32, #tpu.memory_space<vmem>>, %arg5: memref<64xi32, #tpu.memory_space<vmem>>) attributes {dimension_semantics = [#tpu.dimension_semantics<core_parallel>, #tpu.dimension_semantics<subcore_parallel>], iteration_bounds = array<i64: 2, 16>, scalar_prefetch = 0 : i64, scratch_operands = 2 : i64, tpu.core_type = #tpu.core_type<sc_vector_subcore>, window_params = [{transform_indices = #map}, {transform_indices = #map}]} {
    %mul3A = arith.constant 16 : i32
    %mul3A_0 = arith.muli %arg0, %mul3A : i32
    %add3A = arith.addi %mul3A_0, %arg1 : i32
    %mul3A_1 = arith.constant 64 : i32
    %mul3A_2 = arith.muli %add3A, %mul3A_1 : i32
    "tpu.region"() ({
      %run_scoped3A = tpu.sem_alloc : memref<!tpu.dma_semaphore, #tpu.memory_space<semaphore_mem>>
      tpu.enqueue_dma source(%arg2 : memref<2048xi32, #tpu.memory_space<hbm>>) target(%arg4 : memref<2048xi32, #tpu.memory_space<vmem>>) target_semaphore(%run_scoped3A : memref<!tpu.dma_semaphore, #tpu.memory_space<semaphore_mem>>)
      tpu.wait_dma2 semaphore(%run_scoped3A : memref<!tpu.dma_semaphore, #tpu.memory_space<semaphore_mem>>) src(%arg2 : memref<2048xi32, #tpu.memory_space<hbm>>) dst(%arg4 : memref<2048xi32, #tpu.memory_space<vmem>>)
      tpu.yield
    }) : () -> ()
    %iota3A = tpu.iota {dimensions = array<i32: 0>} : vector<16xi32>
    %broadcast_in_dim3A = arith.constant 0 : i32
    %broadcast_in_dim3A_3 = vector.broadcast %broadcast_in_dim3A : i32 to vector<16xi32>
    %broadcast_in_dim3A_4 = arith.constant 1 : i32
    %broadcast_in_dim3A_5 = vector.broadcast %broadcast_in_dim3A_4 : i32 to vector<16xi32>
    %broadcast_in_dim3A_6 = arith.constant 2 : i32
    %broadcast_in_dim3A_7 = vector.broadcast %broadcast_in_dim3A_6 : i32 to vector<16xi32>
    %broadcast_in_dim3A_8 = arith.constant 3 : i32
    %broadcast_in_dim3A_9 = vector.broadcast %broadcast_in_dim3A_8 : i32 to vector<16xi32>
    %broadcast_in_dim3A_10 = arith.constant 4 : i32
    %broadcast_in_dim3A_11 = vector.broadcast %broadcast_in_dim3A_10 : i32 to vector<16xi32>
    %broadcast_in_dim3A_12 = arith.constant 5 : i32
    %broadcast_in_dim3A_13 = vector.broadcast %broadcast_in_dim3A_12 : i32 to vector<16xi32>
    %broadcast_in_dim3A_14 = arith.constant 6 : i32
    %broadcast_in_dim3A_15 = vector.broadcast %broadcast_in_dim3A_14 : i32 to vector<16xi32>
    %broadcast_in_dim3A_16 = arith.constant 7 : i32
    %broadcast_in_dim3A_17 = vector.broadcast %broadcast_in_dim3A_16 : i32 to vector<16xi32>
    %broadcast_in_dim3A_18 = arith.constant 8 : i32
    %broadcast_in_dim3A_19 = vector.broadcast %broadcast_in_dim3A_18 : i32 to vector<16xi32>
    %broadcast_in_dim3A_20 = arith.constant 9 : i32
    %broadcast_in_dim3A_21 = vector.broadcast %broadcast_in_dim3A_20 : i32 to vector<16xi32>
    %broadcast_in_dim3A_22 = arith.constant 10 : i32
    %broadcast_in_dim3A_23 = vector.broadcast %broadcast_in_dim3A_22 : i32 to vector<16xi32>
    %broadcast_in_dim3A_24 = arith.constant 11 : i32
    %broadcast_in_dim3A_25 = vector.broadcast %broadcast_in_dim3A_24 : i32 to vector<16xi32>
    %broadcast_in_dim3A_26 = arith.constant 12 : i32
    %broadcast_in_dim3A_27 = vector.broadcast %broadcast_in_dim3A_26 : i32 to vector<16xi32>
    %broadcast_in_dim3A_28 = arith.constant 13 : i32
    %broadcast_in_dim3A_29 = vector.broadcast %broadcast_in_dim3A_28 : i32 to vector<16xi32>
    %broadcast_in_dim3A_30 = arith.constant 14 : i32
    %broadcast_in_dim3A_31 = vector.broadcast %broadcast_in_dim3A_30 : i32 to vector<16xi32>
    %broadcast_in_dim3A_32 = arith.constant 15 : i32
    %broadcast_in_dim3A_33 = vector.broadcast %broadcast_in_dim3A_32 : i32 to vector<16xi32>
    %broadcast_in_dim3A_34 = arith.constant 0 : i32
    %broadcast_in_dim3A_35 = vector.broadcast %broadcast_in_dim3A_34 : i32 to vector<16xi32>
    %sub3A = arith.subi %broadcast_in_dim3A_35, %iota3A : vector<16xi32>
    %broadcast_in_dim3A_36 = arith.constant 1 : i32
    %broadcast_in_dim3A_37 = vector.broadcast %broadcast_in_dim3A_36 : i32 to vector<16xi32>
    %sub3A_38 = arith.subi %broadcast_in_dim3A_37, %iota3A : vector<16xi32>
    %broadcast_in_dim3A_39 = arith.constant 2 : i32
    %broadcast_in_dim3A_40 = vector.broadcast %broadcast_in_dim3A_39 : i32 to vector<16xi32>
    %sub3A_41 = arith.subi %broadcast_in_dim3A_40, %iota3A : vector<16xi32>
    %broadcast_in_dim3A_42 = arith.constant 3 : i32
    %broadcast_in_dim3A_43 = vector.broadcast %broadcast_in_dim3A_42 : i32 to vector<16xi32>
    %sub3A_44 = arith.subi %broadcast_in_dim3A_43, %iota3A : vector<16xi32>
    %broadcast_in_dim3A_45 = arith.constant 4 : i32
    %broadcast_in_dim3A_46 = vector.broadcast %broadcast_in_dim3A_45 : i32 to vector<16xi32>
    %sub3A_47 = arith.subi %broadcast_in_dim3A_46, %iota3A : vector<16xi32>
    %broadcast_in_dim3A_48 = arith.constant 5 : i32
    %broadcast_in_dim3A_49 = vector.broadcast %broadcast_in_dim3A_48 : i32 to vector<16xi32>
    %sub3A_50 = arith.subi %broadcast_in_dim3A_49, %iota3A : vector<16xi32>
    %broadcast_in_dim3A_51 = arith.constant 6 : i32
    %broadcast_in_dim3A_52 = vector.broadcast %broadcast_in_dim3A_51 : i32 to vector<16xi32>
    %sub3A_53 = arith.subi %broadcast_in_dim3A_52, %iota3A : vector<16xi32>
    %broadcast_in_dim3A_54 = arith.constant 7 : i32
    %broadcast_in_dim3A_55 = vector.broadcast %broadcast_in_dim3A_54 : i32 to vector<16xi32>
    %sub3A_56 = arith.subi %broadcast_in_dim3A_55, %iota3A : vector<16xi32>
    %broadcast_in_dim3A_57 = arith.constant 8 : i32
    %broadcast_in_dim3A_58 = vector.broadcast %broadcast_in_dim3A_57 : i32 to vector<16xi32>
    %sub3A_59 = arith.subi %broadcast_in_dim3A_58, %iota3A : vector<16xi32>
    %broadcast_in_dim3A_60 = arith.constant 9 : i32
    %broadcast_in_dim3A_61 = vector.broadcast %broadcast_in_dim3A_60 : i32 to vector<16xi32>
    %sub3A_62 = arith.subi %broadcast_in_dim3A_61, %iota3A : vector<16xi32>
    %broadcast_in_dim3A_63 = arith.constant 10 : i32
    %broadcast_in_dim3A_64 = vector.broadcast %broadcast_in_dim3A_63 : i32 to vector<16xi32>
    %sub3A_65 = arith.subi %broadcast_in_dim3A_64, %iota3A : vector<16xi32>
    %broadcast_in_dim3A_66 = arith.constant 11 : i32
    %broadcast_in_dim3A_67 = vector.broadcast %broadcast_in_dim3A_66 : i32 to vector<16xi32>
    %sub3A_68 = arith.subi %broadcast_in_dim3A_67, %iota3A : vector<16xi32>
    %broadcast_in_dim3A_69 = arith.constant 12 : i32
    %broadcast_in_dim3A_70 = vector.broadcast %broadcast_in_dim3A_69 : i32 to vector<16xi32>
    %sub3A_71 = arith.subi %broadcast_in_dim3A_70, %iota3A : vector<16xi32>
    %broadcast_in_dim3A_72 = arith.constant 13 : i32
    %broadcast_in_dim3A_73 = vector.broadcast %broadcast_in_dim3A_72 : i32 to vector<16xi32>
    %sub3A_74 = arith.subi %broadcast_in_dim3A_73, %iota3A : vector<16xi32>
    %broadcast_in_dim3A_75 = arith.constant 14 : i32
    %broadcast_in_dim3A_76 = vector.broadcast %broadcast_in_dim3A_75 : i32 to vector<16xi32>
    %sub3A_77 = arith.subi %broadcast_in_dim3A_76, %iota3A : vector<16xi32>
    %broadcast_in_dim3A_78 = arith.constant 15 : i32
    %broadcast_in_dim3A_79 = vector.broadcast %broadcast_in_dim3A_78 : i32 to vector<16xi32>
    %sub3A_80 = arith.subi %broadcast_in_dim3A_79, %iota3A : vector<16xi32>
    %broadcast_in_dim3A_81 = arith.constant 16 : i32
    %broadcast_in_dim3A_82 = vector.broadcast %broadcast_in_dim3A_81 : i32 to vector<16xi32>
    %broadcast_in_dim3A_83 = arith.constant 0 : i32
    %broadcast_in_dim3A_84 = vector.broadcast %broadcast_in_dim3A_83 : i32 to vector<16xi32>
    %jit3A = arith.constant 16 : i32
    %div3A = arith.divsi %mul3A_2, %jit3A : i32
    %sign3A = arith.constant 0 : i32
    %sign3A_85 = arith.cmpi sgt, %mul3A_2, %sign3A : i32
    %sign3A_86 = arith.extui %sign3A_85 : i1 to i32
    %sign3A_87 = arith.constant 0 : i32
    %sign3A_88 = arith.cmpi slt, %mul3A_2, %sign3A_87 : i32
    %sign3A_89 = arith.extui %sign3A_88 : i1 to i32
    %sign3A_90 = arith.subi %sign3A_86, %sign3A_89 : i32
    %sign3A_91 = arith.constant 0 : i32
    %sign3A_92 = arith.cmpi sgt, %jit3A, %sign3A_91 : i32
    %sign3A_93 = arith.extui %sign3A_92 : i1 to i32
    %sign3A_94 = arith.constant 0 : i32
    %sign3A_95 = arith.cmpi slt, %jit3A, %sign3A_94 : i32
    %sign3A_96 = arith.extui %sign3A_95 : i1 to i32
    %sign3A_97 = arith.subi %sign3A_93, %sign3A_96 : i32
    %ne3A = arith.cmpi ne, %sign3A_90, %sign3A_97 : i32
    %rem3A = arith.remsi %mul3A_2, %jit3A : i32
    %ne3A_98 = arith.constant 0 : i32
    %ne3A_99 = arith.cmpi ne, %rem3A, %ne3A_98 : i32
    %and3A = arith.andi %ne3A, %ne3A_99 : i1
    %sub3A_100 = arith.constant 1 : i32
    %sub3A_101 = arith.subi %div3A, %sub3A_100 : i32
    %select_n3A = arith.select %and3A, %sub3A_101, %div3A : i32
    %scan3A = arith.constant 0 : i32
    %scan3A_102 = arith.constant 4 : i32
    %scan3A_103 = arith.addi %scan3A, %scan3A_102 : i32
    %scan3A_104 = arith.constant 1 : i32
    %scan3A_105 = scf.for %scan3A_107 = %scan3A to %scan3A_103 step %scan3A_104 iter_args(%scan3A_108 = %broadcast_in_dim3A_84) -> (vector<16xi32>)  : i32 {
      %mul3A_109 = arith.constant 16 : i32
      %mul3A_110 = arith.muli %scan3A_107, %mul3A_109 : i32
      %add3A_111 = arith.addi %mul3A_2, %mul3A_110 : i32
      %get3A = arith.index_cast %add3A_111 : i32 to index
      %get3A_112 = tpu.vector_load %arg4[%get3A] {strides = array<i32>} : memref<2048xi32, #tpu.memory_space<vmem>>, vector<16xi32>,
      %get3A_113 = vector.shape_cast %get3A_112 : vector<16xi32> to vector<16xi32>
      %add3A_114 = arith.constant 1 : i32
      %add3A_115 = vector.broadcast %add3A_114 : i32 to vector<16xi32>
      %add3A_116 = arith.addi %get3A_113, %add3A_115 : vector<16xi32>
      %while3A = arith.constant 0 : i32
      %while3A_117 = arith.subi %select_n3A, %while3A : i32
      %while3A_118 = arith.addi %while3A, %while3A_117 : i32
      %while3A_119 = arith.constant 1 : i32
      %while3A_120 = arith.divsi %while3A_117, %while3A_119 : i32
      %while3A_121 = arith.muli %while3A_120, %while3A_119 : i32
      %while3A_122 = arith.addi %while3A, %while3A_121 : i32
      %while3A_123 = arith.constant 1 : i32
      %while3A_124:4 = scf.for %while3A_157 = %while3A to %while3A_122 step %while3A_123 iter_args(%while3A_158 = %broadcast_in_dim3A_84, %while3A_159 = %broadcast_in_dim3A_84, %while3A_160 = %broadcast_in_dim3A_84, %while3A_161 = %broadcast_in_dim3A_84) -> (vector<16xi32>, vector<16xi32>, vector<16xi32>, vector<16xi32>)  : i32 {
        %mul3A_162 = arith.constant 16 : i32
        %mul3A_163 = arith.muli %while3A_157, %mul3A_162 : i32
        %get3A_164 = arith.index_cast %mul3A_163 : i32 to index
        %get3A_165 = tpu.vector_load %arg4[%get3A_164] {strides = array<i32>} : memref<2048xi32, #tpu.memory_space<vmem>>, vector<16xi32>,
        %get3A_166 = vector.shape_cast %get3A_165 : vector<16xi32> to vector<16xi32>
        %broadcast_in_dim3A_167 = vector.shape_cast %broadcast_in_dim3A_3 : vector<16xi32> to vector<16x1xi32>
        %gather3A = vector.shape_cast %broadcast_in_dim3A_167 : vector<16x1xi32> to vector<16xi32>
        %gather3A_168 = tpu.dynamic_gather %get3A_166[%gather3A] in [0] : vector<16xi32>, vector<16xi32> -> vector<16xi32>
        %sub3A_169 = arith.subi %gather3A_168, %add3A_116 : vector<16xi32>
        %shift_right_arithmetic3A = arith.constant 31 : i32
        %shift_right_arithmetic3A_170 = vector.broadcast %shift_right_arithmetic3A : i32 to vector<16xi32>
        %shift_right_arithmetic3A_171 = arith.shrsi %sub3A_169, %shift_right_arithmetic3A_170 : vector<16xi32>
        %add3A_172 = arith.addi %while3A_158, %shift_right_arithmetic3A_171 : vector<16xi32>
        %broadcast_in_dim3A_173 = vector.shape_cast %broadcast_in_dim3A_5 : vector<16xi32> to vector<16x1xi32>
        %gather3A_174 = vector.shape_cast %broadcast_in_dim3A_173 : vector<16x1xi32> to vector<16xi32>
        %gather3A_175 = tpu.dynamic_gather %get3A_166[%gather3A_174] in [0] : vector<16xi32>, vector<16xi32> -> vector<16xi32>
        %sub3A_176 = arith.subi %gather3A_175, %add3A_116 : vector<16xi32>
        %shift_right_arithmetic3A_177 = arith.constant 31 : i32
        %shift_right_arithmetic3A_178 = vector.broadcast %shift_right_arithmetic3A_177 : i32 to vector<16xi32>
        %shift_right_arithmetic3A_179 = arith.shrsi %sub3A_176, %shift_right_arithmetic3A_178 : vector<16xi32>
        %add3A_180 = arith.addi %while3A_159, %shift_right_arithmetic3A_179 : vector<16xi32>
        %broadcast_in_dim3A_181 = vector.shape_cast %broadcast_in_dim3A_7 : vector<16xi32> to vector<16x1xi32>
        %gather3A_182 = vector.shape_cast %broadcast_in_dim3A_181 : vector<16x1xi32> to vector<16xi32>
        %gather3A_183 = tpu.dynamic_gather %get3A_166[%gather3A_182] in [0] : vector<16xi32>, vector<16xi32> -> vector<16xi32>
        %sub3A_184 = arith.subi %gather3A_183, %add3A_116 : vector<16xi32>
        %shift_right_arithmetic3A_185 = arith.constant 31 : i32
        %shift_right_arithmetic3A_186 = vector.broadcast %shift_right_arithmetic3A_185 : i32 to vector<16xi32>
        %shift_right_arithmetic3A_187 = arith.shrsi %sub3A_184, %shift_right_arithmetic3A_186 : vector<16xi32>
        %add3A_188 = arith.addi %while3A_160, %shift_right_arithmetic3A_187 : vector<16xi32>
        %broadcast_in_dim3A_189 = vector.shape_cast %broadcast_in_dim3A_9 : vector<16xi32> to vector<16x1xi32>
        %gather3A_190 = vector.shape_cast %broadcast_in_dim3A_189 : vector<16x1xi32> to vector<16xi32>
        %gather3A_191 = tpu.dynamic_gather %get3A_166[%gather3A_190] in [0] : vector<16xi32>, vector<16xi32> -> vector<16xi32>
        %sub3A_192 = arith.subi %gather3A_191, %add3A_116 : vector<16xi32>
        %shift_right_arithmetic3A_193 = arith.constant 31 : i32
        %shift_right_arithmetic3A_194 = vector.broadcast %shift_right_arithmetic3A_193 : i32 to vector<16xi32>
        %shift_right_arithmetic3A_195 = arith.shrsi %sub3A_192, %shift_right_arithmetic3A_194 : vector<16xi32>
        %add3A_196 = arith.addi %while3A_161, %shift_right_arithmetic3A_195 : vector<16xi32>
        %broadcast_in_dim3A_197 = vector.shape_cast %broadcast_in_dim3A_11 : vector<16xi32> to vector<16x1xi32>
        %gather3A_198 = vector.shape_cast %broadcast_in_dim3A_197 : vector<16x1xi32> to vector<16xi32>
        %gather3A_199 = tpu.dynamic_gather %get3A_166[%gather3A_198] in [0] : vector<16xi32>, vector<16xi32> -> vector<16xi32>
        %sub3A_200 = arith.subi %gather3A_199, %add3A_116 : vector<16xi32>
        %shift_right_arithmetic3A_201 = arith.constant 31 : i32
        %shift_right_arithmetic3A_202 = vector.broadcast %shift_right_arithmetic3A_201 : i32 to vector<16xi32>
        %shift_right_arithmetic3A_203 = arith.shrsi %sub3A_200, %shift_right_arithmetic3A_202 : vector<16xi32>
        %add3A_204 = arith.addi %add3A_172, %shift_right_arithmetic3A_203 : vector<16xi32>
        %broadcast_in_dim3A_205 = vector.shape_cast %broadcast_in_dim3A_13 : vector<16xi32> to vector<16x1xi32>
        %gather3A_206 = vector.shape_cast %broadcast_in_dim3A_205 : vector<16x1xi32> to vector<16xi32>
        %gather3A_207 = tpu.dynamic_gather %get3A_166[%gather3A_206] in [0] : vector<16xi32>, vector<16xi32> -> vector<16xi32>
        %sub3A_208 = arith.subi %gather3A_207, %add3A_116 : vector<16xi32>
        %shift_right_arithmetic3A_209 = arith.constant 31 : i32
        %shift_right_arithmetic3A_210 = vector.broadcast %shift_right_arithmetic3A_209 : i32 to vector<16xi32>
        %shift_right_arithmetic3A_211 = arith.shrsi %sub3A_208, %shift_right_arithmetic3A_210 : vector<16xi32>
        %add3A_212 = arith.addi %add3A_180, %shift_right_arithmetic3A_211 : vector<16xi32>
        %broadcast_in_dim3A_213 = vector.shape_cast %broadcast_in_dim3A_15 : vector<16xi32> to vector<16x1xi32>
        %gather3A_214 = vector.shape_cast %broadcast_in_dim3A_213 : vector<16x1xi32> to vector<16xi32>
        %gather3A_215 = tpu.dynamic_gather %get3A_166[%gather3A_214] in [0] : vector<16xi32>, vector<16xi32> -> vector<16xi32>
        %sub3A_216 = arith.subi %gather3A_215, %add3A_116 : vector<16xi32>
        %shift_right_arithmetic3A_217 = arith.constant 31 : i32
        %shift_right_arithmetic3A_218 = vector.broadcast %shift_right_arithmetic3A_217 : i32 to vector<16xi32>
        %shift_right_arithmetic3A_219 = arith.shrsi %sub3A_216, %shift_right_arithmetic3A_218 : vector<16xi32>
        %add3A_220 = arith.addi %add3A_188, %shift_right_arithmetic3A_219 : vector<16xi32>
        %broadcast_in_dim3A_221 = vector.shape_cast %broadcast_in_dim3A_17 : vector<16xi32> to vector<16x1xi32>
        %gather3A_222 = vector.shape_cast %broadcast_in_dim3A_221 : vector<16x1xi32> to vector<16xi32>
        %gather3A_223 = tpu.dynamic_gather %get3A_166[%gather3A_222] in [0] : vector<16xi32>, vector<16xi32> -> vector<16xi32>
        %sub3A_224 = arith.subi %gather3A_223, %add3A_116 : vector<16xi32>
        %shift_right_arithmetic3A_225 = arith.constant 31 : i32
        %shift_right_arithmetic3A_226 = vector.broadcast %shift_right_arithmetic3A_225 : i32 to vector<16xi32>
        %shift_right_arithmetic3A_227 = arith.shrsi %sub3A_224, %shift_right_arithmetic3A_226 : vector<16xi32>
        %add3A_228 = arith.addi %add3A_196, %shift_right_arithmetic3A_227 : vector<16xi32>
        %broadcast_in_dim3A_229 = vector.shape_cast %broadcast_in_dim3A_19 : vector<16xi32> to vector<16x1xi32>
        %gather3A_230 = vector.shape_cast %broadcast_in_dim3A_229 : vector<16x1xi32> to vector<16xi32>
        %gather3A_231 = tpu.dynamic_gather %get3A_166[%gather3A_230] in [0] : vector<16xi32>, vector<16xi32> -> vector<16xi32>
        %sub3A_232 = arith.subi %gather3A_231, %add3A_116 : vector<16xi32>
        %shift_right_arithmetic3A_233 = arith.constant 31 : i32
        %shift_right_arithmetic3A_234 = vector.broadcast %shift_right_arithmetic3A_233 : i32 to vector<16xi32>
        %shift_right_arithmetic3A_235 = arith.shrsi %sub3A_232, %shift_right_arithmetic3A_234 : vector<16xi32>
        %add3A_236 = arith.addi %add3A_204, %shift_right_arithmetic3A_235 : vector<16xi32>
        %broadcast_in_dim3A_237 = vector.shape_cast %broadcast_in_dim3A_21 : vector<16xi32> to vector<16x1xi32>
        %gather3A_238 = vector.shape_cast %broadcast_in_dim3A_237 : vector<16x1xi32> to vector<16xi32>
        %gather3A_239 = tpu.dynamic_gather %get3A_166[%gather3A_238] in [0] : vector<16xi32>, vector<16xi32> -> vector<16xi32>
        %sub3A_240 = arith.subi %gather3A_239, %add3A_116 : vector<16xi32>
        %shift_right_arithmetic3A_241 = arith.constant 31 : i32
        %shift_right_arithmetic3A_242 = vector.broadcast %shift_right_arithmetic3A_241 : i32 to vector<16xi32>
        %shift_right_arithmetic3A_243 = arith.shrsi %sub3A_240, %shift_right_arithmetic3A_242 : vector<16xi32>
        %add3A_244 = arith.addi %add3A_212, %shift_right_arithmetic3A_243 : vector<16xi32>
        %broadcast_in_dim3A_245 = vector.shape_cast %broadcast_in_dim3A_23 : vector<16xi32> to vector<16x1xi32>
        %gather3A_246 = vector.shape_cast %broadcast_in_dim3A_245 : vector<16x1xi32> to vector<16xi32>
        %gather3A_247 = tpu.dynamic_gather %get3A_166[%gather3A_246] in [0] : vector<16xi32>, vector<16xi32> -> vector<16xi32>
        %sub3A_248 = arith.subi %gather3A_247, %add3A_116 : vector<16xi32>
        %shift_right_arithmetic3A_249 = arith.constant 31 : i32
        %shift_right_arithmetic3A_250 = vector.broadcast %shift_right_arithmetic3A_249 : i32 to vector<16xi32>
        %shift_right_arithmetic3A_251 = arith.shrsi %sub3A_248, %shift_right_arithmetic3A_250 : vector<16xi32>
        %add3A_252 = arith.addi %add3A_220, %shift_right_arithmetic3A_251 : vector<16xi32>
        %broadcast_in_dim3A_253 = vector.shape_cast %broadcast_in_dim3A_25 : vector<16xi32> to vector<16x1xi32>
        %gather3A_254 = vector.shape_cast %broadcast_in_dim3A_253 : vector<16x1xi32> to vector<16xi32>
        %gather3A_255 = tpu.dynamic_gather %get3A_166[%gather3A_254] in [0] : vector<16xi32>, vector<16xi32> -> vector<16xi32>
        %sub3A_256 = arith.subi %gather3A_255, %add3A_116 : vector<16xi32>
        %shift_right_arithmetic3A_257 = arith.constant 31 : i32
        %shift_right_arithmetic3A_258 = vector.broadcast %shift_right_arithmetic3A_257 : i32 to vector<16xi32>
        %shift_right_arithmetic3A_259 = arith.shrsi %sub3A_256, %shift_right_arithmetic3A_258 : vector<16xi32>
        %add3A_260 = arith.addi %add3A_228, %shift_right_arithmetic3A_259 : vector<16xi32>
        %broadcast_in_dim3A_261 = vector.shape_cast %broadcast_in_dim3A_27 : vector<16xi32> to vector<16x1xi32>
        %gather3A_262 = vector.shape_cast %broadcast_in_dim3A_261 : vector<16x1xi32> to vector<16xi32>
        %gather3A_263 = tpu.dynamic_gather %get3A_166[%gather3A_262] in [0] : vector<16xi32>, vector<16xi32> -> vector<16xi32>
        %sub3A_264 = arith.subi %gather3A_263, %add3A_116 : vector<16xi32>
        %shift_right_arithmetic3A_265 = arith.constant 31 : i32
        %shift_right_arithmetic3A_266 = vector.broadcast %shift_right_arithmetic3A_265 : i32 to vector<16xi32>
        %shift_right_arithmetic3A_267 = arith.shrsi %sub3A_264, %shift_right_arithmetic3A_266 : vector<16xi32>
        %add3A_268 = arith.addi %add3A_236, %shift_right_arithmetic3A_267 : vector<16xi32>
        %broadcast_in_dim3A_269 = vector.shape_cast %broadcast_in_dim3A_29 : vector<16xi32> to vector<16x1xi32>
        %gather3A_270 = vector.shape_cast %broadcast_in_dim3A_269 : vector<16x1xi32> to vector<16xi32>
        %gather3A_271 = tpu.dynamic_gather %get3A_166[%gather3A_270] in [0] : vector<16xi32>, vector<16xi32> -> vector<16xi32>
        %sub3A_272 = arith.subi %gather3A_271, %add3A_116 : vector<16xi32>
        %shift_right_arithmetic3A_273 = arith.constant 31 : i32
        %shift_right_arithmetic3A_274 = vector.broadcast %shift_right_arithmetic3A_273 : i32 to vector<16xi32>
        %shift_right_arithmetic3A_275 = arith.shrsi %sub3A_272, %shift_right_arithmetic3A_274 : vector<16xi32>
        %add3A_276 = arith.addi %add3A_244, %shift_right_arithmetic3A_275 : vector<16xi32>
        %broadcast_in_dim3A_277 = vector.shape_cast %broadcast_in_dim3A_31 : vector<16xi32> to vector<16x1xi32>
        %gather3A_278 = vector.shape_cast %broadcast_in_dim3A_277 : vector<16x1xi32> to vector<16xi32>
        %gather3A_279 = tpu.dynamic_gather %get3A_166[%gather3A_278] in [0] : vector<16xi32>, vector<16xi32> -> vector<16xi32>
        %sub3A_280 = arith.subi %gather3A_279, %add3A_116 : vector<16xi32>
        %shift_right_arithmetic3A_281 = arith.constant 31 : i32
        %shift_right_arithmetic3A_282 = vector.broadcast %shift_right_arithmetic3A_281 : i32 to vector<16xi32>
        %shift_right_arithmetic3A_283 = arith.shrsi %sub3A_280, %shift_right_arithmetic3A_282 : vector<16xi32>
        %add3A_284 = arith.addi %add3A_252, %shift_right_arithmetic3A_283 : vector<16xi32>
        %broadcast_in_dim3A_285 = vector.shape_cast %broadcast_in_dim3A_33 : vector<16xi32> to vector<16x1xi32>
        %gather3A_286 = vector.shape_cast %broadcast_in_dim3A_285 : vector<16x1xi32> to vector<16xi32>
        %gather3A_287 = tpu.dynamic_gather %get3A_166[%gather3A_286] in [0] : vector<16xi32>, vector<16xi32> -> vector<16xi32>
        %sub3A_288 = arith.subi %gather3A_287, %add3A_116 : vector<16xi32>
        %shift_right_arithmetic3A_289 = arith.constant 31 : i32
        %shift_right_arithmetic3A_290 = vector.broadcast %shift_right_arithmetic3A_289 : i32 to vector<16xi32>
        %shift_right_arithmetic3A_291 = arith.shrsi %sub3A_288, %shift_right_arithmetic3A_290 : vector<16xi32>
        %add3A_292 = arith.addi %add3A_260, %shift_right_arithmetic3A_291 : vector<16xi32>
        scf.yield %add3A_268, %add3A_276, %add3A_284, %add3A_292 : vector<16xi32>, vector<16xi32>, vector<16xi32>, vector<16xi32>
      }
      %while3A_125 = arith.constant 1 : i32
      %while3A_126:4 = scf.for %while3A_157 = %while3A_122 to %while3A_118 step %while3A_125 iter_args(%while3A_158 = %while3A_124#0, %while3A_159 = %while3A_124#1, %while3A_160 = %while3A_124#2, %while3A_161 = %while3A_124#3) -> (vector<16xi32>, vector<16xi32>, vector<16xi32>, vector<16xi32>)  : i32 {
        %mul3A_162 = arith.constant 16 : i32
        %mul3A_163 = arith.muli %while3A_157, %mul3A_162 : i32
        %get3A_164 = arith.index_cast %mul3A_163 : i32 to index
        %get3A_165 = tpu.vector_load %arg4[%get3A_164] {strides = array<i32>} : memref<2048xi32, #tpu.memory_space<vmem>>, vector<16xi32>,
        %get3A_166 = vector.shape_cast %get3A_165 : vector<16xi32> to vector<16xi32>
        %broadcast_in_dim3A_167 = vector.shape_cast %broadcast_in_dim3A_3 : vector<16xi32> to vector<16x1xi32>
        %gather3A = vector.shape_cast %broadcast_in_dim3A_167 : vector<16x1xi32> to vector<16xi32>
        %gather3A_168 = tpu.dynamic_gather %get3A_166[%gather3A] in [0] : vector<16xi32>, vector<16xi32> -> vector<16xi32>
        %sub3A_169 = arith.subi %gather3A_168, %add3A_116 : vector<16xi32>
        %shift_right_arithmetic3A = arith.constant 31 : i32
        %shift_right_arithmetic3A_170 = vector.broadcast %shift_right_arithmetic3A : i32 to vector<16xi32>
        %shift_right_arithmetic3A_171 = arith.shrsi %sub3A_169, %shift_right_arithmetic3A_170 : vector<16xi32>
        %add3A_172 = arith.addi %while3A_158, %shift_right_arithmetic3A_171 : vector<16xi32>
        %broadcast_in_dim3A_173 = vector.shape_cast %broadcast_in_dim3A_5 : vector<16xi32> to vector<16x1xi32>
        %gather3A_174 = vector.shape_cast %broadcast_in_dim3A_173 : vector<16x1xi32> to vector<16xi32>
        %gather3A_175 = tpu.dynamic_gather %get3A_166[%gather3A_174] in [0] : vector<16xi32>, vector<16xi32> -> vector<16xi32>
        %sub3A_176 = arith.subi %gather3A_175, %add3A_116 : vector<16xi32>
        %shift_right_arithmetic3A_177 = arith.constant 31 : i32
        %shift_right_arithmetic3A_178 = vector.broadcast %shift_right_arithmetic3A_177 : i32 to vector<16xi32>
        %shift_right_arithmetic3A_179 = arith.shrsi %sub3A_176, %shift_right_arithmetic3A_178 : vector<16xi32>
        %add3A_180 = arith.addi %while3A_159, %shift_right_arithmetic3A_179 : vector<16xi32>
        %broadcast_in_dim3A_181 = vector.shape_cast %broadcast_in_dim3A_7 : vector<16xi32> to vector<16x1xi32>
        %gather3A_182 = vector.shape_cast %broadcast_in_dim3A_181 : vector<16x1xi32> to vector<16xi32>
        %gather3A_183 = tpu.dynamic_gather %get3A_166[%gather3A_182] in [0] : vector<16xi32>, vector<16xi32> -> vector<16xi32>
        %sub3A_184 = arith.subi %gather3A_183, %add3A_116 : vector<16xi32>
        %shift_right_arithmetic3A_185 = arith.constant 31 : i32
        %shift_right_arithmetic3A_186 = vector.broadcast %shift_right_arithmetic3A_185 : i32 to vector<16xi32>
        %shift_right_arithmetic3A_187 = arith.shrsi %sub3A_184, %shift_right_arithmetic3A_186 : vector<16xi32>
        %add3A_188 = arith.addi %while3A_160, %shift_right_arithmetic3A_187 : vector<16xi32>
        %broadcast_in_dim3A_189 = vector.shape_cast %broadcast_in_dim3A_9 : vector<16xi32> to vector<16x1xi32>
        %gather3A_190 = vector.shape_cast %broadcast_in_dim3A_189 : vector<16x1xi32> to vector<16xi32>
        %gather3A_191 = tpu.dynamic_gather %get3A_166[%gather3A_190] in [0] : vector<16xi32>, vector<16xi32> -> vector<16xi32>
        %sub3A_192 = arith.subi %gather3A_191, %add3A_116 : vector<16xi32>
        %shift_right_arithmetic3A_193 = arith.constant 31 : i32
        %shift_right_arithmetic3A_194 = vector.broadcast %shift_right_arithmetic3A_193 : i32 to vector<16xi32>
        %shift_right_arithmetic3A_195 = arith.shrsi %sub3A_192, %shift_right_arithmetic3A_194 : vector<16xi32>
        %add3A_196 = arith.addi %while3A_161, %shift_right_arithmetic3A_195 : vector<16xi32>
        %broadcast_in_dim3A_197 = vector.shape_cast %broadcast_in_dim3A_11 : vector<16xi32> to vector<16x1xi32>
        %gather3A_198 = vector.shape_cast %broadcast_in_dim3A_197 : vector<16x1xi32> to vector<16xi32>
        %gather3A_199 = tpu.dynamic_gather %get3A_166[%gather3A_198] in [0] : vector<16xi32>, vector<16xi32> -> vector<16xi32>
        %sub3A_200 = arith.subi %gather3A_199, %add3A_116 : vector<16xi32>
        %shift_right_arithmetic3A_201 = arith.constant 31 : i32
        %shift_right_arithmetic3A_202 = vector.broadcast %shift_right_arithmetic3A_201 : i32 to vector<16xi32>
        %shift_right_arithmetic3A_203 = arith.shrsi %sub3A_200, %shift_right_arithmetic3A_202 : vector<16xi32>
        %add3A_204 = arith.addi %add3A_172, %shift_right_arithmetic3A_203 : vector<16xi32>
        %broadcast_in_dim3A_205 = vector.shape_cast %broadcast_in_dim3A_13 : vector<16xi32> to vector<16x1xi32>
        %gather3A_206 = vector.shape_cast %broadcast_in_dim3A_205 : vector<16x1xi32> to vector<16xi32>
        %gather3A_207 = tpu.dynamic_gather %get3A_166[%gather3A_206] in [0] : vector<16xi32>, vector<16xi32> -> vector<16xi32>
        %sub3A_208 = arith.subi %gather3A_207, %add3A_116 : vector<16xi32>
        %shift_right_arithmetic3A_209 = arith.constant 31 : i32
        %shift_right_arithmetic3A_210 = vector.broadcast %shift_right_arithmetic3A_209 : i32 to vector<16xi32>
        %shift_right_arithmetic3A_211 = arith.shrsi %sub3A_208, %shift_right_arithmetic3A_210 : vector<16xi32>
        %add3A_212 = arith.addi %add3A_180, %shift_right_arithmetic3A_211 : vector<16xi32>
        %broadcast_in_dim3A_213 = vector.shape_cast %broadcast_in_dim3A_15 : vector<16xi32> to vector<16x1xi32>
        %gather3A_214 = vector.shape_cast %broadcast_in_dim3A_213 : vector<16x1xi32> to vector<16xi32>
        %gather3A_215 = tpu.dynamic_gather %get3A_166[%gather3A_214] in [0] : vector<16xi32>, vector<16xi32> -> vector<16xi32>
        %sub3A_216 = arith.subi %gather3A_215, %add3A_116 : vector<16xi32>
        %shift_right_arithmetic3A_217 = arith.constant 31 : i32
        %shift_right_arithmetic3A_218 = vector.broadcast %shift_right_arithmetic3A_217 : i32 to vector<16xi32>
        %shift_right_arithmetic3A_219 = arith.shrsi %sub3A_216, %shift_right_arithmetic3A_218 : vector<16xi32>
        %add3A_220 = arith.addi %add3A_188, %shift_right_arithmetic3A_219 : vector<16xi32>
        %broadcast_in_dim3A_221 = vector.shape_cast %broadcast_in_dim3A_17 : vector<16xi32> to vector<16x1xi32>
        %gather3A_222 = vector.shape_cast %broadcast_in_dim3A_221 : vector<16x1xi32> to vector<16xi32>
        %gather3A_223 = tpu.dynamic_gather %get3A_166[%gather3A_222] in [0] : vector<16xi32>, vector<16xi32> -> vector<16xi32>
        %sub3A_224 = arith.subi %gather3A_223, %add3A_116 : vector<16xi32>
        %shift_right_arithmetic3A_225 = arith.constant 31 : i32
        %shift_right_arithmetic3A_226 = vector.broadcast %shift_right_arithmetic3A_225 : i32 to vector<16xi32>
        %shift_right_arithmetic3A_227 = arith.shrsi %sub3A_224, %shift_right_arithmetic3A_226 : vector<16xi32>
        %add3A_228 = arith.addi %add3A_196, %shift_right_arithmetic3A_227 : vector<16xi32>
        %broadcast_in_dim3A_229 = vector.shape_cast %broadcast_in_dim3A_19 : vector<16xi32> to vector<16x1xi32>
        %gather3A_230 = vector.shape_cast %broadcast_in_dim3A_229 : vector<16x1xi32> to vector<16xi32>
        %gather3A_231 = tpu.dynamic_gather %get3A_166[%gather3A_230] in [0] : vector<16xi32>, vector<16xi32> -> vector<16xi32>
        %sub3A_232 = arith.subi %gather3A_231, %add3A_116 : vector<16xi32>
        %shift_right_arithmetic3A_233 = arith.constant 31 : i32
        %shift_right_arithmetic3A_234 = vector.broadcast %shift_right_arithmetic3A_233 : i32 to vector<16xi32>
        %shift_right_arithmetic3A_235 = arith.shrsi %sub3A_232, %shift_right_arithmetic3A_234 : vector<16xi32>
        %add3A_236 = arith.addi %add3A_204, %shift_right_arithmetic3A_235 : vector<16xi32>
        %broadcast_in_dim3A_237 = vector.shape_cast %broadcast_in_dim3A_21 : vector<16xi32> to vector<16x1xi32>
        %gather3A_238 = vector.shape_cast %broadcast_in_dim3A_237 : vector<16x1xi32> to vector<16xi32>
        %gather3A_239 = tpu.dynamic_gather %get3A_166[%gather3A_238] in [0] : vector<16xi32>, vector<16xi32> -> vector<16xi32>
        %sub3A_240 = arith.subi %gather3A_239, %add3A_116 : vector<16xi32>
        %shift_right_arithmetic3A_241 = arith.constant 31 : i32
        %shift_right_arithmetic3A_242 = vector.broadcast %shift_right_arithmetic3A_241 : i32 to vector<16xi32>
        %shift_right_arithmetic3A_243 = arith.shrsi %sub3A_240, %shift_right_arithmetic3A_242 : vector<16xi32>
        %add3A_244 = arith.addi %add3A_212, %shift_right_arithmetic3A_243 : vector<16xi32>
        %broadcast_in_dim3A_245 = vector.shape_cast %broadcast_in_dim3A_23 : vector<16xi32> to vector<16x1xi32>
        %gather3A_246 = vector.shape_cast %broadcast_in_dim3A_245 : vector<16x1xi32> to vector<16xi32>
        %gather3A_247 = tpu.dynamic_gather %get3A_166[%gather3A_246] in [0] : vector<16xi32>, vector<16xi32> -> vector<16xi32>
        %sub3A_248 = arith.subi %gather3A_247, %add3A_116 : vector<16xi32>
        %shift_right_arithmetic3A_249 = arith.constant 31 : i32
        %shift_right_arithmetic3A_250 = vector.broadcast %shift_right_arithmetic3A_249 : i32 to vector<16xi32>
        %shift_right_arithmetic3A_251 = arith.shrsi %sub3A_248, %shift_right_arithmetic3A_250 : vector<16xi32>
        %add3A_252 = arith.addi %add3A_220, %shift_right_arithmetic3A_251 : vector<16xi32>
        %broadcast_in_dim3A_253 = vector.shape_cast %broadcast_in_dim3A_25 : vector<16xi32> to vector<16x1xi32>
        %gather3A_254 = vector.shape_cast %broadcast_in_dim3A_253 : vector<16x1xi32> to vector<16xi32>
        %gather3A_255 = tpu.dynamic_gather %get3A_166[%gather3A_254] in [0] : vector<16xi32>, vector<16xi32> -> vector<16xi32>
        %sub3A_256 = arith.subi %gather3A_255, %add3A_116 : vector<16xi32>
        %shift_right_arithmetic3A_257 = arith.constant 31 : i32
        %shift_right_arithmetic3A_258 = vector.broadcast %shift_right_arithmetic3A_257 : i32 to vector<16xi32>
        %shift_right_arithmetic3A_259 = arith.shrsi %sub3A_256, %shift_right_arithmetic3A_258 : vector<16xi32>
        %add3A_260 = arith.addi %add3A_228, %shift_right_arithmetic3A_259 : vector<16xi32>
        %broadcast_in_dim3A_261 = vector.shape_cast %broadcast_in_dim3A_27 : vector<16xi32> to vector<16x1xi32>
        %gather3A_262 = vector.shape_cast %broadcast_in_dim3A_261 : vector<16x1xi32> to vector<16xi32>
        %gather3A_263 = tpu.dynamic_gather %get3A_166[%gather3A_262] in [0] : vector<16xi32>, vector<16xi32> -> vector<16xi32>
        %sub3A_264 = arith.subi %gather3A_263, %add3A_116 : vector<16xi32>
        %shift_right_arithmetic3A_265 = arith.constant 31 : i32
        %shift_right_arithmetic3A_266 = vector.broadcast %shift_right_arithmetic3A_265 : i32 to vector<16xi32>
        %shift_right_arithmetic3A_267 = arith.shrsi %sub3A_264, %shift_right_arithmetic3A_266 : vector<16xi32>
        %add3A_268 = arith.addi %add3A_236, %shift_right_arithmetic3A_267 : vector<16xi32>
        %broadcast_in_dim3A_269 = vector.shape_cast %broadcast_in_dim3A_29 : vector<16xi32> to vector<16x1xi32>
        %gather3A_270 = vector.shape_cast %broadcast_in_dim3A_269 : vector<16x1xi32> to vector<16xi32>
        %gather3A_271 = tpu.dynamic_gather %get3A_166[%gather3A_270] in [0] : vector<16xi32>, vector<16xi32> -> vector<16xi32>
        %sub3A_272 = arith.subi %gather3A_271, %add3A_116 : vector<16xi32>
        %shift_right_arithmetic3A_273 = arith.constant 31 : i32
        %shift_right_arithmetic3A_274 = vector.broadcast %shift_right_arithmetic3A_273 : i32 to vector<16xi32>
        %shift_right_arithmetic3A_275 = arith.shrsi %sub3A_272, %shift_right_arithmetic3A_274 : vector<16xi32>
        %add3A_276 = arith.addi %add3A_244, %shift_right_arithmetic3A_275 : vector<16xi32>
        %broadcast_in_dim3A_277 = vector.shape_cast %broadcast_in_dim3A_31 : vector<16xi32> to vector<16x1xi32>
        %gather3A_278 = vector.shape_cast %broadcast_in_dim3A_277 : vector<16x1xi32> to vector<16xi32>
        %gather3A_279 = tpu.dynamic_gather %get3A_166[%gather3A_278] in [0] : vector<16xi32>, vector<16xi32> -> vector<16xi32>
        %sub3A_280 = arith.subi %gather3A_279, %add3A_116 : vector<16xi32>
        %shift_right_arithmetic3A_281 = arith.constant 31 : i32
        %shift_right_arithmetic3A_282 = vector.broadcast %shift_right_arithmetic3A_281 : i32 to vector<16xi32>
        %shift_right_arithmetic3A_283 = arith.shrsi %sub3A_280, %shift_right_arithmetic3A_282 : vector<16xi32>
        %add3A_284 = arith.addi %add3A_252, %shift_right_arithmetic3A_283 : vector<16xi32>
        %broadcast_in_dim3A_285 = vector.shape_cast %broadcast_in_dim3A_33 : vector<16xi32> to vector<16x1xi32>
        %gather3A_286 = vector.shape_cast %broadcast_in_dim3A_285 : vector<16x1xi32> to vector<16xi32>
        %gather3A_287 = tpu.dynamic_gather %get3A_166[%gather3A_286] in [0] : vector<16xi32>, vector<16xi32> -> vector<16xi32>
        %sub3A_288 = arith.subi %gather3A_287, %add3A_116 : vector<16xi32>
        %shift_right_arithmetic3A_289 = arith.constant 31 : i32
        %shift_right_arithmetic3A_290 = vector.broadcast %shift_right_arithmetic3A_289 : i32 to vector<16xi32>
        %shift_right_arithmetic3A_291 = arith.shrsi %sub3A_288, %shift_right_arithmetic3A_290 : vector<16xi32>
        %add3A_292 = arith.addi %add3A_260, %shift_right_arithmetic3A_291 : vector<16xi32>
        scf.yield %add3A_268, %add3A_276, %add3A_284, %add3A_292 : vector<16xi32>, vector<16xi32>, vector<16xi32>, vector<16xi32>
      }
      %scan3A_127 = arith.constant 0 : i32
      %scan3A_128 = arith.constant 4 : i32
      %scan3A_129 = arith.addi %scan3A_127, %scan3A_128 : i32
      %scan3A_130 = arith.constant 1 : i32
      %scan3A_131:5 = scf.for %scan3A_157 = %scan3A_127 to %scan3A_129 step %scan3A_130 iter_args(%scan3A_158 = %while3A_126#0, %scan3A_159 = %while3A_126#1, %scan3A_160 = %while3A_126#2, %scan3A_161 = %while3A_126#3, %scan3A_162 = %broadcast_in_dim3A_84) -> (vector<16xi32>, vector<16xi32>, vector<16xi32>, vector<16xi32>, vector<16xi32>)  : i32 {
        %mul3A_163 = arith.constant 16 : i32
        %mul3A_164 = arith.muli %scan3A_157, %mul3A_163 : i32
        %add3A_165 = arith.addi %mul3A_2, %mul3A_164 : i32
        %get3A_166 = arith.index_cast %add3A_165 : i32 to index
        %get3A_167 = tpu.vector_load %arg4[%get3A_166] {strides = array<i32>} : memref<2048xi32, #tpu.memory_space<vmem>>, vector<16xi32>,
        %get3A_168 = vector.shape_cast %get3A_167 : vector<16xi32> to vector<16xi32>
        %sub3A_169 = arith.subi %scan3A_162, %scan3A_108 : vector<16xi32>
        %broadcast_in_dim3A_170 = vector.shape_cast %broadcast_in_dim3A_3 : vector<16xi32> to vector<16x1xi32>
        %gather3A = vector.shape_cast %broadcast_in_dim3A_170 : vector<16x1xi32> to vector<16xi32>
        %gather3A_171 = tpu.dynamic_gather %get3A_168[%gather3A] in [0] : vector<16xi32>, vector<16xi32> -> vector<16xi32>
        %sub3A_172 = arith.subi %gather3A_171, %get3A_113 : vector<16xi32>
        %max3A = arith.constant -1 : i32
        %max3A_173 = vector.broadcast %max3A : i32 to vector<16xi32>
        %max3A_174 = arith.maxsi %sub3A_172, %max3A_173 : vector<16xi32>
        %min3A = arith.constant 1 : i32
        %min3A_175 = vector.broadcast %min3A : i32 to vector<16xi32>
        %min3A_176 = arith.minsi %max3A_174, %min3A_175 : vector<16xi32>
        %shift_left3A = arith.constant 12 : i32
        %shift_left3A_177 = vector.broadcast %shift_left3A : i32 to vector<16xi32>
        %shift_left3A_178 = arith.shli %min3A_176, %shift_left3A_177 : vector<16xi32>
        %add3A_179 = arith.addi %shift_left3A_178, %sub3A_169 : vector<16xi32>
        %add3A_180 = arith.addi %add3A_179, %sub3A : vector<16xi32>
        %shift_right_arithmetic3A = arith.constant 31 : i32
        %shift_right_arithmetic3A_181 = vector.broadcast %shift_right_arithmetic3A : i32 to vector<16xi32>
        %shift_right_arithmetic3A_182 = arith.shrsi %add3A_180, %shift_right_arithmetic3A_181 : vector<16xi32>
        %add3A_183 = arith.addi %scan3A_158, %shift_right_arithmetic3A_182 : vector<16xi32>
        %broadcast_in_dim3A_184 = vector.shape_cast %broadcast_in_dim3A_5 : vector<16xi32> to vector<16x1xi32>
        %gather3A_185 = vector.shape_cast %broadcast_in_dim3A_184 : vector<16x1xi32> to vector<16xi32>
        %gather3A_186 = tpu.dynamic_gather %get3A_168[%gather3A_185] in [0] : vector<16xi32>, vector<16xi32> -> vector<16xi32>
        %sub3A_187 = arith.subi %gather3A_186, %get3A_113 : vector<16xi32>
        %max3A_188 = arith.constant -1 : i32
        %max3A_189 = vector.broadcast %max3A_188 : i32 to vector<16xi32>
        %max3A_190 = arith.maxsi %sub3A_187, %max3A_189 : vector<16xi32>
        %min3A_191 = arith.constant 1 : i32
        %min3A_192 = vector.broadcast %min3A_191 : i32 to vector<16xi32>
        %min3A_193 = arith.minsi %max3A_190, %min3A_192 : vector<16xi32>
        %shift_left3A_194 = arith.constant 12 : i32
        %shift_left3A_195 = vector.broadcast %shift_left3A_194 : i32 to vector<16xi32>
        %shift_left3A_196 = arith.shli %min3A_193, %shift_left3A_195 : vector<16xi32>
        %add3A_197 = arith.addi %shift_left3A_196, %sub3A_169 : vector<16xi32>
        %add3A_198 = arith.addi %add3A_197, %sub3A_38 : vector<16xi32>
        %shift_right_arithmetic3A_199 = arith.constant 31 : i32
        %shift_right_arithmetic3A_200 = vector.broadcast %shift_right_arithmetic3A_199 : i32 to vector<16xi32>
        %shift_right_arithmetic3A_201 = arith.shrsi %add3A_198, %shift_right_arithmetic3A_200 : vector<16xi32>
        %add3A_202 = arith.addi %scan3A_159, %shift_right_arithmetic3A_201 : vector<16xi32>
        %broadcast_in_dim3A_203 = vector.shape_cast %broadcast_in_dim3A_7 : vector<16xi32> to vector<16x1xi32>
        %gather3A_204 = vector.shape_cast %broadcast_in_dim3A_203 : vector<16x1xi32> to vector<16xi32>
        %gather3A_205 = tpu.dynamic_gather %get3A_168[%gather3A_204] in [0] : vector<16xi32>, vector<16xi32> -> vector<16xi32>
        %sub3A_206 = arith.subi %gather3A_205, %get3A_113 : vector<16xi32>
        %max3A_207 = arith.constant -1 : i32
        %max3A_208 = vector.broadcast %max3A_207 : i32 to vector<16xi32>
        %max3A_209 = arith.maxsi %sub3A_206, %max3A_208 : vector<16xi32>
        %min3A_210 = arith.constant 1 : i32
        %min3A_211 = vector.broadcast %min3A_210 : i32 to vector<16xi32>
        %min3A_212 = arith.minsi %max3A_209, %min3A_211 : vector<16xi32>
        %shift_left3A_213 = arith.constant 12 : i32
        %shift_left3A_214 = vector.broadcast %shift_left3A_213 : i32 to vector<16xi32>
        %shift_left3A_215 = arith.shli %min3A_212, %shift_left3A_214 : vector<16xi32>
        %add3A_216 = arith.addi %shift_left3A_215, %sub3A_169 : vector<16xi32>
        %add3A_217 = arith.addi %add3A_216, %sub3A_41 : vector<16xi32>
        %shift_right_arithmetic3A_218 = arith.constant 31 : i32
        %shift_right_arithmetic3A_219 = vector.broadcast %shift_right_arithmetic3A_218 : i32 to vector<16xi32>
        %shift_right_arithmetic3A_220 = arith.shrsi %add3A_217, %shift_right_arithmetic3A_219 : vector<16xi32>
        %add3A_221 = arith.addi %scan3A_160, %shift_right_arithmetic3A_220 : vector<16xi32>
        %broadcast_in_dim3A_222 = vector.shape_cast %broadcast_in_dim3A_9 : vector<16xi32> to vector<16x1xi32>
        %gather3A_223 = vector.shape_cast %broadcast_in_dim3A_222 : vector<16x1xi32> to vector<16xi32>
        %gather3A_224 = tpu.dynamic_gather %get3A_168[%gather3A_223] in [0] : vector<16xi32>, vector<16xi32> -> vector<16xi32>
        %sub3A_225 = arith.subi %gather3A_224, %get3A_113 : vector<16xi32>
        %max3A_226 = arith.constant -1 : i32
        %max3A_227 = vector.broadcast %max3A_226 : i32 to vector<16xi32>
        %max3A_228 = arith.maxsi %sub3A_225, %max3A_227 : vector<16xi32>
        %min3A_229 = arith.constant 1 : i32
        %min3A_230 = vector.broadcast %min3A_229 : i32 to vector<16xi32>
        %min3A_231 = arith.minsi %max3A_228, %min3A_230 : vector<16xi32>
        %shift_left3A_232 = arith.constant 12 : i32
        %shift_left3A_233 = vector.broadcast %shift_left3A_232 : i32 to vector<16xi32>
        %shift_left3A_234 = arith.shli %min3A_231, %shift_left3A_233 : vector<16xi32>
        %add3A_235 = arith.addi %shift_left3A_234, %sub3A_169 : vector<16xi32>
        %add3A_236 = arith.addi %add3A_235, %sub3A_44 : vector<16xi32>
        %shift_right_arithmetic3A_237 = arith.constant 31 : i32
        %shift_right_arithmetic3A_238 = vector.broadcast %shift_right_arithmetic3A_237 : i32 to vector<16xi32>
        %shift_right_arithmetic3A_239 = arith.shrsi %add3A_236, %shift_right_arithmetic3A_238 : vector<16xi32>
        %add3A_240 = arith.addi %scan3A_161, %shift_right_arithmetic3A_239 : vector<16xi32>
        %broadcast_in_dim3A_241 = vector.shape_cast %broadcast_in_dim3A_11 : vector<16xi32> to vector<16x1xi32>
        %gather3A_242 = vector.shape_cast %broadcast_in_dim3A_241 : vector<16x1xi32> to vector<16xi32>
        %gather3A_243 = tpu.dynamic_gather %get3A_168[%gather3A_242] in [0] : vector<16xi32>, vector<16xi32> -> vector<16xi32>
        %sub3A_244 = arith.subi %gather3A_243, %get3A_113 : vector<16xi32>
        %max3A_245 = arith.constant -1 : i32
        %max3A_246 = vector.broadcast %max3A_245 : i32 to vector<16xi32>
        %max3A_247 = arith.maxsi %sub3A_244, %max3A_246 : vector<16xi32>
        %min3A_248 = arith.constant 1 : i32
        %min3A_249 = vector.broadcast %min3A_248 : i32 to vector<16xi32>
        %min3A_250 = arith.minsi %max3A_247, %min3A_249 : vector<16xi32>
        %shift_left3A_251 = arith.constant 12 : i32
        %shift_left3A_252 = vector.broadcast %shift_left3A_251 : i32 to vector<16xi32>
        %shift_left3A_253 = arith.shli %min3A_250, %shift_left3A_252 : vector<16xi32>
        %add3A_254 = arith.addi %shift_left3A_253, %sub3A_169 : vector<16xi32>
        %add3A_255 = arith.addi %add3A_254, %sub3A_47 : vector<16xi32>
        %shift_right_arithmetic3A_256 = arith.constant 31 : i32
        %shift_right_arithmetic3A_257 = vector.broadcast %shift_right_arithmetic3A_256 : i32 to vector<16xi32>
        %shift_right_arithmetic3A_258 = arith.shrsi %add3A_255, %shift_right_arithmetic3A_257 : vector<16xi32>
        %add3A_259 = arith.addi %add3A_183, %shift_right_arithmetic3A_258 : vector<16xi32>
        %broadcast_in_dim3A_260 = vector.shape_cast %broadcast_in_dim3A_13 : vector<16xi32> to vector<16x1xi32>
        %gather3A_261 = vector.shape_cast %broadcast_in_dim3A_260 : vector<16x1xi32> to vector<16xi32>
        %gather3A_262 = tpu.dynamic_gather %get3A_168[%gather3A_261] in [0] : vector<16xi32>, vector<16xi32> -> vector<16xi32>
        %sub3A_263 = arith.subi %gather3A_262, %get3A_113 : vector<16xi32>
        %max3A_264 = arith.constant -1 : i32
        %max3A_265 = vector.broadcast %max3A_264 : i32 to vector<16xi32>
        %max3A_266 = arith.maxsi %sub3A_263, %max3A_265 : vector<16xi32>
        %min3A_267 = arith.constant 1 : i32
        %min3A_268 = vector.broadcast %min3A_267 : i32 to vector<16xi32>
        %min3A_269 = arith.minsi %max3A_266, %min3A_268 : vector<16xi32>
        %shift_left3A_270 = arith.constant 12 : i32
        %shift_left3A_271 = vector.broadcast %shift_left3A_270 : i32 to vector<16xi32>
        %shift_left3A_272 = arith.shli %min3A_269, %shift_left3A_271 : vector<16xi32>
        %add3A_273 = arith.addi %shift_left3A_272, %sub3A_169 : vector<16xi32>
        %add3A_274 = arith.addi %add3A_273, %sub3A_50 : vector<16xi32>
        %shift_right_arithmetic3A_275 = arith.constant 31 : i32
        %shift_right_arithmetic3A_276 = vector.broadcast %shift_right_arithmetic3A_275 : i32 to vector<16xi32>
        %shift_right_arithmetic3A_277 = arith.shrsi %add3A_274, %shift_right_arithmetic3A_276 : vector<16xi32>
        %add3A_278 = arith.addi %add3A_202, %shift_right_arithmetic3A_277 : vector<16xi32>
        %broadcast_in_dim3A_279 = vector.shape_cast %broadcast_in_dim3A_15 : vector<16xi32> to vector<16x1xi32>
        %gather3A_280 = vector.shape_cast %broadcast_in_dim3A_279 : vector<16x1xi32> to vector<16xi32>
        %gather3A_281 = tpu.dynamic_gather %get3A_168[%gather3A_280] in [0] : vector<16xi32>, vector<16xi32> -> vector<16xi32>
        %sub3A_282 = arith.subi %gather3A_281, %get3A_113 : vector<16xi32>
        %max3A_283 = arith.constant -1 : i32
        %max3A_284 = vector.broadcast %max3A_283 : i32 to vector<16xi32>
        %max3A_285 = arith.maxsi %sub3A_282, %max3A_284 : vector<16xi32>
        %min3A_286 = arith.constant 1 : i32
        %min3A_287 = vector.broadcast %min3A_286 : i32 to vector<16xi32>
        %min3A_288 = arith.minsi %max3A_285, %min3A_287 : vector<16xi32>
        %shift_left3A_289 = arith.constant 12 : i32
        %shift_left3A_290 = vector.broadcast %shift_left3A_289 : i32 to vector<16xi32>
        %shift_left3A_291 = arith.shli %min3A_288, %shift_left3A_290 : vector<16xi32>
        %add3A_292 = arith.addi %shift_left3A_291, %sub3A_169 : vector<16xi32>
        %add3A_293 = arith.addi %add3A_292, %sub3A_53 : vector<16xi32>
        %shift_right_arithmetic3A_294 = arith.constant 31 : i32
        %shift_right_arithmetic3A_295 = vector.broadcast %shift_right_arithmetic3A_294 : i32 to vector<16xi32>
        %shift_right_arithmetic3A_296 = arith.shrsi %add3A_293, %shift_right_arithmetic3A_295 : vector<16xi32>
        %add3A_297 = arith.addi %add3A_221, %shift_right_arithmetic3A_296 : vector<16xi32>
        %broadcast_in_dim3A_298 = vector.shape_cast %broadcast_in_dim3A_17 : vector<16xi32> to vector<16x1xi32>
        %gather3A_299 = vector.shape_cast %broadcast_in_dim3A_298 : vector<16x1xi32> to vector<16xi32>
        %gather3A_300 = tpu.dynamic_gather %get3A_168[%gather3A_299] in [0] : vector<16xi32>, vector<16xi32> -> vector<16xi32>
        %sub3A_301 = arith.subi %gather3A_300, %get3A_113 : vector<16xi32>
        %max3A_302 = arith.constant -1 : i32
        %max3A_303 = vector.broadcast %max3A_302 : i32 to vector<16xi32>
        %max3A_304 = arith.maxsi %sub3A_301, %max3A_303 : vector<16xi32>
        %min3A_305 = arith.constant 1 : i32
        %min3A_306 = vector.broadcast %min3A_305 : i32 to vector<16xi32>
        %min3A_307 = arith.minsi %max3A_304, %min3A_306 : vector<16xi32>
        %shift_left3A_308 = arith.constant 12 : i32
        %shift_left3A_309 = vector.broadcast %shift_left3A_308 : i32 to vector<16xi32>
        %shift_left3A_310 = arith.shli %min3A_307, %shift_left3A_309 : vector<16xi32>
        %add3A_311 = arith.addi %shift_left3A_310, %sub3A_169 : vector<16xi32>
        %add3A_312 = arith.addi %add3A_311, %sub3A_56 : vector<16xi32>
        %shift_right_arithmetic3A_313 = arith.constant 31 : i32
        %shift_right_arithmetic3A_314 = vector.broadcast %shift_right_arithmetic3A_313 : i32 to vector<16xi32>
        %shift_right_arithmetic3A_315 = arith.shrsi %add3A_312, %shift_right_arithmetic3A_314 : vector<16xi32>
        %add3A_316 = arith.addi %add3A_240, %shift_right_arithmetic3A_315 : vector<16xi32>
        %broadcast_in_dim3A_317 = vector.shape_cast %broadcast_in_dim3A_19 : vector<16xi32> to vector<16x1xi32>
        %gather3A_318 = vector.shape_cast %broadcast_in_dim3A_317 : vector<16x1xi32> to vector<16xi32>
        %gather3A_319 = tpu.dynamic_gather %get3A_168[%gather3A_318] in [0] : vector<16xi32>, vector<16xi32> -> vector<16xi32>
        %sub3A_320 = arith.subi %gather3A_319, %get3A_113 : vector<16xi32>
        %max3A_321 = arith.constant -1 : i32
        %max3A_322 = vector.broadcast %max3A_321 : i32 to vector<16xi32>
        %max3A_323 = arith.maxsi %sub3A_320, %max3A_322 : vector<16xi32>
        %min3A_324 = arith.constant 1 : i32
        %min3A_325 = vector.broadcast %min3A_324 : i32 to vector<16xi32>
        %min3A_326 = arith.minsi %max3A_323, %min3A_325 : vector<16xi32>
        %shift_left3A_327 = arith.constant 12 : i32
        %shift_left3A_328 = vector.broadcast %shift_left3A_327 : i32 to vector<16xi32>
        %shift_left3A_329 = arith.shli %min3A_326, %shift_left3A_328 : vector<16xi32>
        %add3A_330 = arith.addi %shift_left3A_329, %sub3A_169 : vector<16xi32>
        %add3A_331 = arith.addi %add3A_330, %sub3A_59 : vector<16xi32>
        %shift_right_arithmetic3A_332 = arith.constant 31 : i32
        %shift_right_arithmetic3A_333 = vector.broadcast %shift_right_arithmetic3A_332 : i32 to vector<16xi32>
        %shift_right_arithmetic3A_334 = arith.shrsi %add3A_331, %shift_right_arithmetic3A_333 : vector<16xi32>
        %add3A_335 = arith.addi %add3A_259, %shift_right_arithmetic3A_334 : vector<16xi32>
        %broadcast_in_dim3A_336 = vector.shape_cast %broadcast_in_dim3A_21 : vector<16xi32> to vector<16x1xi32>
        %gather3A_337 = vector.shape_cast %broadcast_in_dim3A_336 : vector<16x1xi32> to vector<16xi32>
        %gather3A_338 = tpu.dynamic_gather %get3A_168[%gather3A_337] in [0] : vector<16xi32>, vector<16xi32> -> vector<16xi32>
        %sub3A_339 = arith.subi %gather3A_338, %get3A_113 : vector<16xi32>
        %max3A_340 = arith.constant -1 : i32
        %max3A_341 = vector.broadcast %max3A_340 : i32 to vector<16xi32>
        %max3A_342 = arith.maxsi %sub3A_339, %max3A_341 : vector<16xi32>
        %min3A_343 = arith.constant 1 : i32
        %min3A_344 = vector.broadcast %min3A_343 : i32 to vector<16xi32>
        %min3A_345 = arith.minsi %max3A_342, %min3A_344 : vector<16xi32>
        %shift_left3A_346 = arith.constant 12 : i32
        %shift_left3A_347 = vector.broadcast %shift_left3A_346 : i32 to vector<16xi32>
        %shift_left3A_348 = arith.shli %min3A_345, %shift_left3A_347 : vector<16xi32>
        %add3A_349 = arith.addi %shift_left3A_348, %sub3A_169 : vector<16xi32>
        %add3A_350 = arith.addi %add3A_349, %sub3A_62 : vector<16xi32>
        %shift_right_arithmetic3A_351 = arith.constant 31 : i32
        %shift_right_arithmetic3A_352 = vector.broadcast %shift_right_arithmetic3A_351 : i32 to vector<16xi32>
        %shift_right_arithmetic3A_353 = arith.shrsi %add3A_350, %shift_right_arithmetic3A_352 : vector<16xi32>
        %add3A_354 = arith.addi %add3A_278, %shift_right_arithmetic3A_353 : vector<16xi32>
        %broadcast_in_dim3A_355 = vector.shape_cast %broadcast_in_dim3A_23 : vector<16xi32> to vector<16x1xi32>
        %gather3A_356 = vector.shape_cast %broadcast_in_dim3A_355 : vector<16x1xi32> to vector<16xi32>
        %gather3A_357 = tpu.dynamic_gather %get3A_168[%gather3A_356] in [0] : vector<16xi32>, vector<16xi32> -> vector<16xi32>
        %sub3A_358 = arith.subi %gather3A_357, %get3A_113 : vector<16xi32>
        %max3A_359 = arith.constant -1 : i32
        %max3A_360 = vector.broadcast %max3A_359 : i32 to vector<16xi32>
        %max3A_361 = arith.maxsi %sub3A_358, %max3A_360 : vector<16xi32>
        %min3A_362 = arith.constant 1 : i32
        %min3A_363 = vector.broadcast %min3A_362 : i32 to vector<16xi32>
        %min3A_364 = arith.minsi %max3A_361, %min3A_363 : vector<16xi32>
        %shift_left3A_365 = arith.constant 12 : i32
        %shift_left3A_366 = vector.broadcast %shift_left3A_365 : i32 to vector<16xi32>
        %shift_left3A_367 = arith.shli %min3A_364, %shift_left3A_366 : vector<16xi32>
        %add3A_368 = arith.addi %shift_left3A_367, %sub3A_169 : vector<16xi32>
        %add3A_369 = arith.addi %add3A_368, %sub3A_65 : vector<16xi32>
        %shift_right_arithmetic3A_370 = arith.constant 31 : i32
        %shift_right_arithmetic3A_371 = vector.broadcast %shift_right_arithmetic3A_370 : i32 to vector<16xi32>
        %shift_right_arithmetic3A_372 = arith.shrsi %add3A_369, %shift_right_arithmetic3A_371 : vector<16xi32>
        %add3A_373 = arith.addi %add3A_297, %shift_right_arithmetic3A_372 : vector<16xi32>
        %broadcast_in_dim3A_374 = vector.shape_cast %broadcast_in_dim3A_25 : vector<16xi32> to vector<16x1xi32>
        %gather3A_375 = vector.shape_cast %broadcast_in_dim3A_374 : vector<16x1xi32> to vector<16xi32>
        %gather3A_376 = tpu.dynamic_gather %get3A_168[%gather3A_375] in [0] : vector<16xi32>, vector<16xi32> -> vector<16xi32>
        %sub3A_377 = arith.subi %gather3A_376, %get3A_113 : vector<16xi32>
        %max3A_378 = arith.constant -1 : i32
        %max3A_379 = vector.broadcast %max3A_378 : i32 to vector<16xi32>
        %max3A_380 = arith.maxsi %sub3A_377, %max3A_379 : vector<16xi32>
        %min3A_381 = arith.constant 1 : i32
        %min3A_382 = vector.broadcast %min3A_381 : i32 to vector<16xi32>
        %min3A_383 = arith.minsi %max3A_380, %min3A_382 : vector<16xi32>
        %shift_left3A_384 = arith.constant 12 : i32
        %shift_left3A_385 = vector.broadcast %shift_left3A_384 : i32 to vector<16xi32>
        %shift_left3A_386 = arith.shli %min3A_383, %shift_left3A_385 : vector<16xi32>
        %add3A_387 = arith.addi %shift_left3A_386, %sub3A_169 : vector<16xi32>
        %add3A_388 = arith.addi %add3A_387, %sub3A_68 : vector<16xi32>
        %shift_right_arithmetic3A_389 = arith.constant 31 : i32
        %shift_right_arithmetic3A_390 = vector.broadcast %shift_right_arithmetic3A_389 : i32 to vector<16xi32>
        %shift_right_arithmetic3A_391 = arith.shrsi %add3A_388, %shift_right_arithmetic3A_390 : vector<16xi32>
        %add3A_392 = arith.addi %add3A_316, %shift_right_arithmetic3A_391 : vector<16xi32>
        %broadcast_in_dim3A_393 = vector.shape_cast %broadcast_in_dim3A_27 : vector<16xi32> to vector<16x1xi32>
        %gather3A_394 = vector.shape_cast %broadcast_in_dim3A_393 : vector<16x1xi32> to vector<16xi32>
        %gather3A_395 = tpu.dynamic_gather %get3A_168[%gather3A_394] in [0] : vector<16xi32>, vector<16xi32> -> vector<16xi32>
        %sub3A_396 = arith.subi %gather3A_395, %get3A_113 : vector<16xi32>
        %max3A_397 = arith.constant -1 : i32
        %max3A_398 = vector.broadcast %max3A_397 : i32 to vector<16xi32>
        %max3A_399 = arith.maxsi %sub3A_396, %max3A_398 : vector<16xi32>
        %min3A_400 = arith.constant 1 : i32
        %min3A_401 = vector.broadcast %min3A_400 : i32 to vector<16xi32>
        %min3A_402 = arith.minsi %max3A_399, %min3A_401 : vector<16xi32>
        %shift_left3A_403 = arith.constant 12 : i32
        %shift_left3A_404 = vector.broadcast %shift_left3A_403 : i32 to vector<16xi32>
        %shift_left3A_405 = arith.shli %min3A_402, %shift_left3A_404 : vector<16xi32>
        %add3A_406 = arith.addi %shift_left3A_405, %sub3A_169 : vector<16xi32>
        %add3A_407 = arith.addi %add3A_406, %sub3A_71 : vector<16xi32>
        %shift_right_arithmetic3A_408 = arith.constant 31 : i32
        %shift_right_arithmetic3A_409 = vector.broadcast %shift_right_arithmetic3A_408 : i32 to vector<16xi32>
        %shift_right_arithmetic3A_410 = arith.shrsi %add3A_407, %shift_right_arithmetic3A_409 : vector<16xi32>
        %add3A_411 = arith.addi %add3A_335, %shift_right_arithmetic3A_410 : vector<16xi32>
        %broadcast_in_dim3A_412 = vector.shape_cast %broadcast_in_dim3A_29 : vector<16xi32> to vector<16x1xi32>
        %gather3A_413 = vector.shape_cast %broadcast_in_dim3A_412 : vector<16x1xi32> to vector<16xi32>
        %gather3A_414 = tpu.dynamic_gather %get3A_168[%gather3A_413] in [0] : vector<16xi32>, vector<16xi32> -> vector<16xi32>
        %sub3A_415 = arith.subi %gather3A_414, %get3A_113 : vector<16xi32>
        %max3A_416 = arith.constant -1 : i32
        %max3A_417 = vector.broadcast %max3A_416 : i32 to vector<16xi32>
        %max3A_418 = arith.maxsi %sub3A_415, %max3A_417 : vector<16xi32>
        %min3A_419 = arith.constant 1 : i32
        %min3A_420 = vector.broadcast %min3A_419 : i32 to vector<16xi32>
        %min3A_421 = arith.minsi %max3A_418, %min3A_420 : vector<16xi32>
        %shift_left3A_422 = arith.constant 12 : i32
        %shift_left3A_423 = vector.broadcast %shift_left3A_422 : i32 to vector<16xi32>
        %shift_left3A_424 = arith.shli %min3A_421, %shift_left3A_423 : vector<16xi32>
        %add3A_425 = arith.addi %shift_left3A_424, %sub3A_169 : vector<16xi32>
        %add3A_426 = arith.addi %add3A_425, %sub3A_74 : vector<16xi32>
        %shift_right_arithmetic3A_427 = arith.constant 31 : i32
        %shift_right_arithmetic3A_428 = vector.broadcast %shift_right_arithmetic3A_427 : i32 to vector<16xi32>
        %shift_right_arithmetic3A_429 = arith.shrsi %add3A_426, %shift_right_arithmetic3A_428 : vector<16xi32>
        %add3A_430 = arith.addi %add3A_354, %shift_right_arithmetic3A_429 : vector<16xi32>
        %broadcast_in_dim3A_431 = vector.shape_cast %broadcast_in_dim3A_31 : vector<16xi32> to vector<16x1xi32>
        %gather3A_432 = vector.shape_cast %broadcast_in_dim3A_431 : vector<16x1xi32> to vector<16xi32>
        %gather3A_433 = tpu.dynamic_gather %get3A_168[%gather3A_432] in [0] : vector<16xi32>, vector<16xi32> -> vector<16xi32>
        %sub3A_434 = arith.subi %gather3A_433, %get3A_113 : vector<16xi32>
        %max3A_435 = arith.constant -1 : i32
        %max3A_436 = vector.broadcast %max3A_435 : i32 to vector<16xi32>
        %max3A_437 = arith.maxsi %sub3A_434, %max3A_436 : vector<16xi32>
        %min3A_438 = arith.constant 1 : i32
        %min3A_439 = vector.broadcast %min3A_438 : i32 to vector<16xi32>
        %min3A_440 = arith.minsi %max3A_437, %min3A_439 : vector<16xi32>
        %shift_left3A_441 = arith.constant 12 : i32
        %shift_left3A_442 = vector.broadcast %shift_left3A_441 : i32 to vector<16xi32>
        %shift_left3A_443 = arith.shli %min3A_440, %shift_left3A_442 : vector<16xi32>
        %add3A_444 = arith.addi %shift_left3A_443, %sub3A_169 : vector<16xi32>
        %add3A_445 = arith.addi %add3A_444, %sub3A_77 : vector<16xi32>
        %shift_right_arithmetic3A_446 = arith.constant 31 : i32
        %shift_right_arithmetic3A_447 = vector.broadcast %shift_right_arithmetic3A_446 : i32 to vector<16xi32>
        %shift_right_arithmetic3A_448 = arith.shrsi %add3A_445, %shift_right_arithmetic3A_447 : vector<16xi32>
        %add3A_449 = arith.addi %add3A_373, %shift_right_arithmetic3A_448 : vector<16xi32>
        %broadcast_in_dim3A_450 = vector.shape_cast %broadcast_in_dim3A_33 : vector<16xi32> to vector<16x1xi32>
        %gather3A_451 = vector.shape_cast %broadcast_in_dim3A_450 : vector<16x1xi32> to vector<16xi32>
        %gather3A_452 = tpu.dynamic_gather %get3A_168[%gather3A_451] in [0] : vector<16xi32>, vector<16xi32> -> vector<16xi32>
        %sub3A_453 = arith.subi %gather3A_452, %get3A_113 : vector<16xi32>
        %max3A_454 = arith.constant -1 : i32
        %max3A_455 = vector.broadcast %max3A_454 : i32 to vector<16xi32>
        %max3A_456 = arith.maxsi %sub3A_453, %max3A_455 : vector<16xi32>
        %min3A_457 = arith.constant 1 : i32
        %min3A_458 = vector.broadcast %min3A_457 : i32 to vector<16xi32>
        %min3A_459 = arith.minsi %max3A_456, %min3A_458 : vector<16xi32>
        %shift_left3A_460 = arith.constant 12 : i32
        %shift_left3A_461 = vector.broadcast %shift_left3A_460 : i32 to vector<16xi32>
        %shift_left3A_462 = arith.shli %min3A_459, %shift_left3A_461 : vector<16xi32>
        %add3A_463 = arith.addi %shift_left3A_462, %sub3A_169 : vector<16xi32>
        %add3A_464 = arith.addi %add3A_463, %sub3A_80 : vector<16xi32>
        %shift_right_arithmetic3A_465 = arith.constant 31 : i32
        %shift_right_arithmetic3A_466 = vector.broadcast %shift_right_arithmetic3A_465 : i32 to vector<16xi32>
        %shift_right_arithmetic3A_467 = arith.shrsi %add3A_464, %shift_right_arithmetic3A_466 : vector<16xi32>
        %add3A_468 = arith.addi %add3A_392, %shift_right_arithmetic3A_467 : vector<16xi32>
        %add3A_469 = arith.addi %scan3A_162, %broadcast_in_dim3A_82 : vector<16xi32>
        scf.yield %add3A_411, %add3A_430, %add3A_449, %add3A_468, %add3A_469 : vector<16xi32>, vector<16xi32>, vector<16xi32>, vector<16xi32>, vector<16xi32>
      }
      %scan3A_132 = arith.constant 4 : i32
      %add3A_133 = arith.constant 4 : i32
      %add3A_134 = arith.addi %select_n3A, %add3A_133 : i32
      %while3A_135 = arith.constant 128 : i32
      %while3A_136 = arith.subi %while3A_135, %add3A_134 : i32
      %while3A_137 = arith.addi %add3A_134, %while3A_136 : i32
      %while3A_138 = arith.constant 1 : i32
      %while3A_139 = arith.divsi %while3A_136, %while3A_138 : i32
      %while3A_140 = arith.muli %while3A_139, %while3A_138 : i32
      %while3A_141 = arith.addi %add3A_134, %while3A_140 : i32
      %while3A_142 = arith.constant 1 : i32
      %while3A_143:4 = scf.for %while3A_157 = %add3A_134 to %while3A_141 step %while3A_142 iter_args(%while3A_158 = %scan3A_131#0, %while3A_159 = %scan3A_131#1, %while3A_160 = %scan3A_131#2, %while3A_161 = %scan3A_131#3) -> (vector<16xi32>, vector<16xi32>, vector<16xi32>, vector<16xi32>)  : i32 {
        %mul3A_162 = arith.constant 16 : i32
        %mul3A_163 = arith.muli %while3A_157, %mul3A_162 : i32
        %get3A_164 = arith.index_cast %mul3A_163 : i32 to index
        %get3A_165 = tpu.vector_load %arg4[%get3A_164] {strides = array<i32>} : memref<2048xi32, #tpu.memory_space<vmem>>, vector<16xi32>,
        %get3A_166 = vector.shape_cast %get3A_165 : vector<16xi32> to vector<16xi32>
        %broadcast_in_dim3A_167 = vector.shape_cast %broadcast_in_dim3A_3 : vector<16xi32> to vector<16x1xi32>
        %gather3A = vector.shape_cast %broadcast_in_dim3A_167 : vector<16x1xi32> to vector<16xi32>
        %gather3A_168 = tpu.dynamic_gather %get3A_166[%gather3A] in [0] : vector<16xi32>, vector<16xi32> -> vector<16xi32>
        %sub3A_169 = arith.subi %gather3A_168, %get3A_113 : vector<16xi32>
        %shift_right_arithmetic3A = arith.constant 31 : i32
        %shift_right_arithmetic3A_170 = vector.broadcast %shift_right_arithmetic3A : i32 to vector<16xi32>
        %shift_right_arithmetic3A_171 = arith.shrsi %sub3A_169, %shift_right_arithmetic3A_170 : vector<16xi32>
        %add3A_172 = arith.addi %while3A_158, %shift_right_arithmetic3A_171 : vector<16xi32>
        %broadcast_in_dim3A_173 = vector.shape_cast %broadcast_in_dim3A_5 : vector<16xi32> to vector<16x1xi32>
        %gather3A_174 = vector.shape_cast %broadcast_in_dim3A_173 : vector<16x1xi32> to vector<16xi32>
        %gather3A_175 = tpu.dynamic_gather %get3A_166[%gather3A_174] in [0] : vector<16xi32>, vector<16xi32> -> vector<16xi32>
        %sub3A_176 = arith.subi %gather3A_175, %get3A_113 : vector<16xi32>
        %shift_right_arithmetic3A_177 = arith.constant 31 : i32
        %shift_right_arithmetic3A_178 = vector.broadcast %shift_right_arithmetic3A_177 : i32 to vector<16xi32>
        %shift_right_arithmetic3A_179 = arith.shrsi %sub3A_176, %shift_right_arithmetic3A_178 : vector<16xi32>
        %add3A_180 = arith.addi %while3A_159, %shift_right_arithmetic3A_179 : vector<16xi32>
        %broadcast_in_dim3A_181 = vector.shape_cast %broadcast_in_dim3A_7 : vector<16xi32> to vector<16x1xi32>
        %gather3A_182 = vector.shape_cast %broadcast_in_dim3A_181 : vector<16x1xi32> to vector<16xi32>
        %gather3A_183 = tpu.dynamic_gather %get3A_166[%gather3A_182] in [0] : vector<16xi32>, vector<16xi32> -> vector<16xi32>
        %sub3A_184 = arith.subi %gather3A_183, %get3A_113 : vector<16xi32>
        %shift_right_arithmetic3A_185 = arith.constant 31 : i32
        %shift_right_arithmetic3A_186 = vector.broadcast %shift_right_arithmetic3A_185 : i32 to vector<16xi32>
        %shift_right_arithmetic3A_187 = arith.shrsi %sub3A_184, %shift_right_arithmetic3A_186 : vector<16xi32>
        %add3A_188 = arith.addi %while3A_160, %shift_right_arithmetic3A_187 : vector<16xi32>
        %broadcast_in_dim3A_189 = vector.shape_cast %broadcast_in_dim3A_9 : vector<16xi32> to vector<16x1xi32>
        %gather3A_190 = vector.shape_cast %broadcast_in_dim3A_189 : vector<16x1xi32> to vector<16xi32>
        %gather3A_191 = tpu.dynamic_gather %get3A_166[%gather3A_190] in [0] : vector<16xi32>, vector<16xi32> -> vector<16xi32>
        %sub3A_192 = arith.subi %gather3A_191, %get3A_113 : vector<16xi32>
        %shift_right_arithmetic3A_193 = arith.constant 31 : i32
        %shift_right_arithmetic3A_194 = vector.broadcast %shift_right_arithmetic3A_193 : i32 to vector<16xi32>
        %shift_right_arithmetic3A_195 = arith.shrsi %sub3A_192, %shift_right_arithmetic3A_194 : vector<16xi32>
        %add3A_196 = arith.addi %while3A_161, %shift_right_arithmetic3A_195 : vector<16xi32>
        %broadcast_in_dim3A_197 = vector.shape_cast %broadcast_in_dim3A_11 : vector<16xi32> to vector<16x1xi32>
        %gather3A_198 = vector.shape_cast %broadcast_in_dim3A_197 : vector<16x1xi32> to vector<16xi32>
        %gather3A_199 = tpu.dynamic_gather %get3A_166[%gather3A_198] in [0] : vector<16xi32>, vector<16xi32> -> vector<16xi32>
        %sub3A_200 = arith.subi %gather3A_199, %get3A_113 : vector<16xi32>
        %shift_right_arithmetic3A_201 = arith.constant 31 : i32
        %shift_right_arithmetic3A_202 = vector.broadcast %shift_right_arithmetic3A_201 : i32 to vector<16xi32>
        %shift_right_arithmetic3A_203 = arith.shrsi %sub3A_200, %shift_right_arithmetic3A_202 : vector<16xi32>
        %add3A_204 = arith.addi %add3A_172, %shift_right_arithmetic3A_203 : vector<16xi32>
        %broadcast_in_dim3A_205 = vector.shape_cast %broadcast_in_dim3A_13 : vector<16xi32> to vector<16x1xi32>
        %gather3A_206 = vector.shape_cast %broadcast_in_dim3A_205 : vector<16x1xi32> to vector<16xi32>
        %gather3A_207 = tpu.dynamic_gather %get3A_166[%gather3A_206] in [0] : vector<16xi32>, vector<16xi32> -> vector<16xi32>
        %sub3A_208 = arith.subi %gather3A_207, %get3A_113 : vector<16xi32>
        %shift_right_arithmetic3A_209 = arith.constant 31 : i32
        %shift_right_arithmetic3A_210 = vector.broadcast %shift_right_arithmetic3A_209 : i32 to vector<16xi32>
        %shift_right_arithmetic3A_211 = arith.shrsi %sub3A_208, %shift_right_arithmetic3A_210 : vector<16xi32>
        %add3A_212 = arith.addi %add3A_180, %shift_right_arithmetic3A_211 : vector<16xi32>
        %broadcast_in_dim3A_213 = vector.shape_cast %broadcast_in_dim3A_15 : vector<16xi32> to vector<16x1xi32>
        %gather3A_214 = vector.shape_cast %broadcast_in_dim3A_213 : vector<16x1xi32> to vector<16xi32>
        %gather3A_215 = tpu.dynamic_gather %get3A_166[%gather3A_214] in [0] : vector<16xi32>, vector<16xi32> -> vector<16xi32>
        %sub3A_216 = arith.subi %gather3A_215, %get3A_113 : vector<16xi32>
        %shift_right_arithmetic3A_217 = arith.constant 31 : i32
        %shift_right_arithmetic3A_218 = vector.broadcast %shift_right_arithmetic3A_217 : i32 to vector<16xi32>
        %shift_right_arithmetic3A_219 = arith.shrsi %sub3A_216, %shift_right_arithmetic3A_218 : vector<16xi32>
        %add3A_220 = arith.addi %add3A_188, %shift_right_arithmetic3A_219 : vector<16xi32>
        %broadcast_in_dim3A_221 = vector.shape_cast %broadcast_in_dim3A_17 : vector<16xi32> to vector<16x1xi32>
        %gather3A_222 = vector.shape_cast %broadcast_in_dim3A_221 : vector<16x1xi32> to vector<16xi32>
        %gather3A_223 = tpu.dynamic_gather %get3A_166[%gather3A_222] in [0] : vector<16xi32>, vector<16xi32> -> vector<16xi32>
        %sub3A_224 = arith.subi %gather3A_223, %get3A_113 : vector<16xi32>
        %shift_right_arithmetic3A_225 = arith.constant 31 : i32
        %shift_right_arithmetic3A_226 = vector.broadcast %shift_right_arithmetic3A_225 : i32 to vector<16xi32>
        %shift_right_arithmetic3A_227 = arith.shrsi %sub3A_224, %shift_right_arithmetic3A_226 : vector<16xi32>
        %add3A_228 = arith.addi %add3A_196, %shift_right_arithmetic3A_227 : vector<16xi32>
        %broadcast_in_dim3A_229 = vector.shape_cast %broadcast_in_dim3A_19 : vector<16xi32> to vector<16x1xi32>
        %gather3A_230 = vector.shape_cast %broadcast_in_dim3A_229 : vector<16x1xi32> to vector<16xi32>
        %gather3A_231 = tpu.dynamic_gather %get3A_166[%gather3A_230] in [0] : vector<16xi32>, vector<16xi32> -> vector<16xi32>
        %sub3A_232 = arith.subi %gather3A_231, %get3A_113 : vector<16xi32>
        %shift_right_arithmetic3A_233 = arith.constant 31 : i32
        %shift_right_arithmetic3A_234 = vector.broadcast %shift_right_arithmetic3A_233 : i32 to vector<16xi32>
        %shift_right_arithmetic3A_235 = arith.shrsi %sub3A_232, %shift_right_arithmetic3A_234 : vector<16xi32>
        %add3A_236 = arith.addi %add3A_204, %shift_right_arithmetic3A_235 : vector<16xi32>
        %broadcast_in_dim3A_237 = vector.shape_cast %broadcast_in_dim3A_21 : vector<16xi32> to vector<16x1xi32>
        %gather3A_238 = vector.shape_cast %broadcast_in_dim3A_237 : vector<16x1xi32> to vector<16xi32>
        %gather3A_239 = tpu.dynamic_gather %get3A_166[%gather3A_238] in [0] : vector<16xi32>, vector<16xi32> -> vector<16xi32>
        %sub3A_240 = arith.subi %gather3A_239, %get3A_113 : vector<16xi32>
        %shift_right_arithmetic3A_241 = arith.constant 31 : i32
        %shift_right_arithmetic3A_242 = vector.broadcast %shift_right_arithmetic3A_241 : i32 to vector<16xi32>
        %shift_right_arithmetic3A_243 = arith.shrsi %sub3A_240, %shift_right_arithmetic3A_242 : vector<16xi32>
        %add3A_244 = arith.addi %add3A_212, %shift_right_arithmetic3A_243 : vector<16xi32>
        %broadcast_in_dim3A_245 = vector.shape_cast %broadcast_in_dim3A_23 : vector<16xi32> to vector<16x1xi32>
        %gather3A_246 = vector.shape_cast %broadcast_in_dim3A_245 : vector<16x1xi32> to vector<16xi32>
        %gather3A_247 = tpu.dynamic_gather %get3A_166[%gather3A_246] in [0] : vector<16xi32>, vector<16xi32> -> vector<16xi32>
        %sub3A_248 = arith.subi %gather3A_247, %get3A_113 : vector<16xi32>
        %shift_right_arithmetic3A_249 = arith.constant 31 : i32
        %shift_right_arithmetic3A_250 = vector.broadcast %shift_right_arithmetic3A_249 : i32 to vector<16xi32>
        %shift_right_arithmetic3A_251 = arith.shrsi %sub3A_248, %shift_right_arithmetic3A_250 : vector<16xi32>
        %add3A_252 = arith.addi %add3A_220, %shift_right_arithmetic3A_251 : vector<16xi32>
        %broadcast_in_dim3A_253 = vector.shape_cast %broadcast_in_dim3A_25 : vector<16xi32> to vector<16x1xi32>
        %gather3A_254 = vector.shape_cast %broadcast_in_dim3A_253 : vector<16x1xi32> to vector<16xi32>
        %gather3A_255 = tpu.dynamic_gather %get3A_166[%gather3A_254] in [0] : vector<16xi32>, vector<16xi32> -> vector<16xi32>
        %sub3A_256 = arith.subi %gather3A_255, %get3A_113 : vector<16xi32>
        %shift_right_arithmetic3A_257 = arith.constant 31 : i32
        %shift_right_arithmetic3A_258 = vector.broadcast %shift_right_arithmetic3A_257 : i32 to vector<16xi32>
        %shift_right_arithmetic3A_259 = arith.shrsi %sub3A_256, %shift_right_arithmetic3A_258 : vector<16xi32>
        %add3A_260 = arith.addi %add3A_228, %shift_right_arithmetic3A_259 : vector<16xi32>
        %broadcast_in_dim3A_261 = vector.shape_cast %broadcast_in_dim3A_27 : vector<16xi32> to vector<16x1xi32>
        %gather3A_262 = vector.shape_cast %broadcast_in_dim3A_261 : vector<16x1xi32> to vector<16xi32>
        %gather3A_263 = tpu.dynamic_gather %get3A_166[%gather3A_262] in [0] : vector<16xi32>, vector<16xi32> -> vector<16xi32>
        %sub3A_264 = arith.subi %gather3A_263, %get3A_113 : vector<16xi32>
        %shift_right_arithmetic3A_265 = arith.constant 31 : i32
        %shift_right_arithmetic3A_266 = vector.broadcast %shift_right_arithmetic3A_265 : i32 to vector<16xi32>
        %shift_right_arithmetic3A_267 = arith.shrsi %sub3A_264, %shift_right_arithmetic3A_266 : vector<16xi32>
        %add3A_268 = arith.addi %add3A_236, %shift_right_arithmetic3A_267 : vector<16xi32>
        %broadcast_in_dim3A_269 = vector.shape_cast %broadcast_in_dim3A_29 : vector<16xi32> to vector<16x1xi32>
        %gather3A_270 = vector.shape_cast %broadcast_in_dim3A_269 : vector<16x1xi32> to vector<16xi32>
        %gather3A_271 = tpu.dynamic_gather %get3A_166[%gather3A_270] in [0] : vector<16xi32>, vector<16xi32> -> vector<16xi32>
        %sub3A_272 = arith.subi %gather3A_271, %get3A_113 : vector<16xi32>
        %shift_right_arithmetic3A_273 = arith.constant 31 : i32
        %shift_right_arithmetic3A_274 = vector.broadcast %shift_right_arithmetic3A_273 : i32 to vector<16xi32>
        %shift_right_arithmetic3A_275 = arith.shrsi %sub3A_272, %shift_right_arithmetic3A_274 : vector<16xi32>
        %add3A_276 = arith.addi %add3A_244, %shift_right_arithmetic3A_275 : vector<16xi32>
        %broadcast_in_dim3A_277 = vector.shape_cast %broadcast_in_dim3A_31 : vector<16xi32> to vector<16x1xi32>
        %gather3A_278 = vector.shape_cast %broadcast_in_dim3A_277 : vector<16x1xi32> to vector<16xi32>
        %gather3A_279 = tpu.dynamic_gather %get3A_166[%gather3A_278] in [0] : vector<16xi32>, vector<16xi32> -> vector<16xi32>
        %sub3A_280 = arith.subi %gather3A_279, %get3A_113 : vector<16xi32>
        %shift_right_arithmetic3A_281 = arith.constant 31 : i32
        %shift_right_arithmetic3A_282 = vector.broadcast %shift_right_arithmetic3A_281 : i32 to vector<16xi32>
        %shift_right_arithmetic3A_283 = arith.shrsi %sub3A_280, %shift_right_arithmetic3A_282 : vector<16xi32>
        %add3A_284 = arith.addi %add3A_252, %shift_right_arithmetic3A_283 : vector<16xi32>
        %broadcast_in_dim3A_285 = vector.shape_cast %broadcast_in_dim3A_33 : vector<16xi32> to vector<16x1xi32>
        %gather3A_286 = vector.shape_cast %broadcast_in_dim3A_285 : vector<16x1xi32> to vector<16xi32>
        %gather3A_287 = tpu.dynamic_gather %get3A_166[%gather3A_286] in [0] : vector<16xi32>, vector<16xi32> -> vector<16xi32>
        %sub3A_288 = arith.subi %gather3A_287, %get3A_113 : vector<16xi32>
        %shift_right_arithmetic3A_289 = arith.constant 31 : i32
        %shift_right_arithmetic3A_290 = vector.broadcast %shift_right_arithmetic3A_289 : i32 to vector<16xi32>
        %shift_right_arithmetic3A_291 = arith.shrsi %sub3A_288, %shift_right_arithmetic3A_290 : vector<16xi32>
        %add3A_292 = arith.addi %add3A_260, %shift_right_arithmetic3A_291 : vector<16xi32>
        scf.yield %add3A_268, %add3A_276, %add3A_284, %add3A_292 : vector<16xi32>, vector<16xi32>, vector<16xi32>, vector<16xi32>
      }
      %while3A_144 = arith.constant 1 : i32
      %while3A_145:4 = scf.for %while3A_157 = %while3A_141 to %while3A_137 step %while3A_144 iter_args(%while3A_158 = %while3A_143#0, %while3A_159 = %while3A_143#1, %while3A_160 = %while3A_143#2, %while3A_161 = %while3A_143#3) -> (vector<16xi32>, vector<16xi32>, vector<16xi32>, vector<16xi32>)  : i32 {
        %mul3A_162 = arith.constant 16 : i32
        %mul3A_163 = arith.muli %while3A_157, %mul3A_162 : i32
        %get3A_164 = arith.index_cast %mul3A_163 : i32 to index
        %get3A_165 = tpu.vector_load %arg4[%get3A_164] {strides = array<i32>} : memref<2048xi32, #tpu.memory_space<vmem>>, vector<16xi32>,
        %get3A_166 = vector.shape_cast %get3A_165 : vector<16xi32> to vector<16xi32>
        %broadcast_in_dim3A_167 = vector.shape_cast %broadcast_in_dim3A_3 : vector<16xi32> to vector<16x1xi32>
        %gather3A = vector.shape_cast %broadcast_in_dim3A_167 : vector<16x1xi32> to vector<16xi32>
        %gather3A_168 = tpu.dynamic_gather %get3A_166[%gather3A] in [0] : vector<16xi32>, vector<16xi32> -> vector<16xi32>
        %sub3A_169 = arith.subi %gather3A_168, %get3A_113 : vector<16xi32>
        %shift_right_arithmetic3A = arith.constant 31 : i32
        %shift_right_arithmetic3A_170 = vector.broadcast %shift_right_arithmetic3A : i32 to vector<16xi32>
        %shift_right_arithmetic3A_171 = arith.shrsi %sub3A_169, %shift_right_arithmetic3A_170 : vector<16xi32>
        %add3A_172 = arith.addi %while3A_158, %shift_right_arithmetic3A_171 : vector<16xi32>
        %broadcast_in_dim3A_173 = vector.shape_cast %broadcast_in_dim3A_5 : vector<16xi32> to vector<16x1xi32>
        %gather3A_174 = vector.shape_cast %broadcast_in_dim3A_173 : vector<16x1xi32> to vector<16xi32>
        %gather3A_175 = tpu.dynamic_gather %get3A_166[%gather3A_174] in [0] : vector<16xi32>, vector<16xi32> -> vector<16xi32>
        %sub3A_176 = arith.subi %gather3A_175, %get3A_113 : vector<16xi32>
        %shift_right_arithmetic3A_177 = arith.constant 31 : i32
        %shift_right_arithmetic3A_178 = vector.broadcast %shift_right_arithmetic3A_177 : i32 to vector<16xi32>
        %shift_right_arithmetic3A_179 = arith.shrsi %sub3A_176, %shift_right_arithmetic3A_178 : vector<16xi32>
        %add3A_180 = arith.addi %while3A_159, %shift_right_arithmetic3A_179 : vector<16xi32>
        %broadcast_in_dim3A_181 = vector.shape_cast %broadcast_in_dim3A_7 : vector<16xi32> to vector<16x1xi32>
        %gather3A_182 = vector.shape_cast %broadcast_in_dim3A_181 : vector<16x1xi32> to vector<16xi32>
        %gather3A_183 = tpu.dynamic_gather %get3A_166[%gather3A_182] in [0] : vector<16xi32>, vector<16xi32> -> vector<16xi32>
        %sub3A_184 = arith.subi %gather3A_183, %get3A_113 : vector<16xi32>
        %shift_right_arithmetic3A_185 = arith.constant 31 : i32
        %shift_right_arithmetic3A_186 = vector.broadcast %shift_right_arithmetic3A_185 : i32 to vector<16xi32>
        %shift_right_arithmetic3A_187 = arith.shrsi %sub3A_184, %shift_right_arithmetic3A_186 : vector<16xi32>
        %add3A_188 = arith.addi %while3A_160, %shift_right_arithmetic3A_187 : vector<16xi32>
        %broadcast_in_dim3A_189 = vector.shape_cast %broadcast_in_dim3A_9 : vector<16xi32> to vector<16x1xi32>
        %gather3A_190 = vector.shape_cast %broadcast_in_dim3A_189 : vector<16x1xi32> to vector<16xi32>
        %gather3A_191 = tpu.dynamic_gather %get3A_166[%gather3A_190] in [0] : vector<16xi32>, vector<16xi32> -> vector<16xi32>
        %sub3A_192 = arith.subi %gather3A_191, %get3A_113 : vector<16xi32>
        %shift_right_arithmetic3A_193 = arith.constant 31 : i32
        %shift_right_arithmetic3A_194 = vector.broadcast %shift_right_arithmetic3A_193 : i32 to vector<16xi32>
        %shift_right_arithmetic3A_195 = arith.shrsi %sub3A_192, %shift_right_arithmetic3A_194 : vector<16xi32>
        %add3A_196 = arith.addi %while3A_161, %shift_right_arithmetic3A_195 : vector<16xi32>
        %broadcast_in_dim3A_197 = vector.shape_cast %broadcast_in_dim3A_11 : vector<16xi32> to vector<16x1xi32>
        %gather3A_198 = vector.shape_cast %broadcast_in_dim3A_197 : vector<16x1xi32> to vector<16xi32>
        %gather3A_199 = tpu.dynamic_gather %get3A_166[%gather3A_198] in [0] : vector<16xi32>, vector<16xi32> -> vector<16xi32>
        %sub3A_200 = arith.subi %gather3A_199, %get3A_113 : vector<16xi32>
        %shift_right_arithmetic3A_201 = arith.constant 31 : i32
        %shift_right_arithmetic3A_202 = vector.broadcast %shift_right_arithmetic3A_201 : i32 to vector<16xi32>
        %shift_right_arithmetic3A_203 = arith.shrsi %sub3A_200, %shift_right_arithmetic3A_202 : vector<16xi32>
        %add3A_204 = arith.addi %add3A_172, %shift_right_arithmetic3A_203 : vector<16xi32>
        %broadcast_in_dim3A_205 = vector.shape_cast %broadcast_in_dim3A_13 : vector<16xi32> to vector<16x1xi32>
        %gather3A_206 = vector.shape_cast %broadcast_in_dim3A_205 : vector<16x1xi32> to vector<16xi32>
        %gather3A_207 = tpu.dynamic_gather %get3A_166[%gather3A_206] in [0] : vector<16xi32>, vector<16xi32> -> vector<16xi32>
        %sub3A_208 = arith.subi %gather3A_207, %get3A_113 : vector<16xi32>
        %shift_right_arithmetic3A_209 = arith.constant 31 : i32
        %shift_right_arithmetic3A_210 = vector.broadcast %shift_right_arithmetic3A_209 : i32 to vector<16xi32>
        %shift_right_arithmetic3A_211 = arith.shrsi %sub3A_208, %shift_right_arithmetic3A_210 : vector<16xi32>
        %add3A_212 = arith.addi %add3A_180, %shift_right_arithmetic3A_211 : vector<16xi32>
        %broadcast_in_dim3A_213 = vector.shape_cast %broadcast_in_dim3A_15 : vector<16xi32> to vector<16x1xi32>
        %gather3A_214 = vector.shape_cast %broadcast_in_dim3A_213 : vector<16x1xi32> to vector<16xi32>
        %gather3A_215 = tpu.dynamic_gather %get3A_166[%gather3A_214] in [0] : vector<16xi32>, vector<16xi32> -> vector<16xi32>
        %sub3A_216 = arith.subi %gather3A_215, %get3A_113 : vector<16xi32>
        %shift_right_arithmetic3A_217 = arith.constant 31 : i32
        %shift_right_arithmetic3A_218 = vector.broadcast %shift_right_arithmetic3A_217 : i32 to vector<16xi32>
        %shift_right_arithmetic3A_219 = arith.shrsi %sub3A_216, %shift_right_arithmetic3A_218 : vector<16xi32>
        %add3A_220 = arith.addi %add3A_188, %shift_right_arithmetic3A_219 : vector<16xi32>
        %broadcast_in_dim3A_221 = vector.shape_cast %broadcast_in_dim3A_17 : vector<16xi32> to vector<16x1xi32>
        %gather3A_222 = vector.shape_cast %broadcast_in_dim3A_221 : vector<16x1xi32> to vector<16xi32>
        %gather3A_223 = tpu.dynamic_gather %get3A_166[%gather3A_222] in [0] : vector<16xi32>, vector<16xi32> -> vector<16xi32>
        %sub3A_224 = arith.subi %gather3A_223, %get3A_113 : vector<16xi32>
        %shift_right_arithmetic3A_225 = arith.constant 31 : i32
        %shift_right_arithmetic3A_226 = vector.broadcast %shift_right_arithmetic3A_225 : i32 to vector<16xi32>
        %shift_right_arithmetic3A_227 = arith.shrsi %sub3A_224, %shift_right_arithmetic3A_226 : vector<16xi32>
        %add3A_228 = arith.addi %add3A_196, %shift_right_arithmetic3A_227 : vector<16xi32>
        %broadcast_in_dim3A_229 = vector.shape_cast %broadcast_in_dim3A_19 : vector<16xi32> to vector<16x1xi32>
        %gather3A_230 = vector.shape_cast %broadcast_in_dim3A_229 : vector<16x1xi32> to vector<16xi32>
        %gather3A_231 = tpu.dynamic_gather %get3A_166[%gather3A_230] in [0] : vector<16xi32>, vector<16xi32> -> vector<16xi32>
        %sub3A_232 = arith.subi %gather3A_231, %get3A_113 : vector<16xi32>
        %shift_right_arithmetic3A_233 = arith.constant 31 : i32
        %shift_right_arithmetic3A_234 = vector.broadcast %shift_right_arithmetic3A_233 : i32 to vector<16xi32>
        %shift_right_arithmetic3A_235 = arith.shrsi %sub3A_232, %shift_right_arithmetic3A_234 : vector<16xi32>
        %add3A_236 = arith.addi %add3A_204, %shift_right_arithmetic3A_235 : vector<16xi32>
        %broadcast_in_dim3A_237 = vector.shape_cast %broadcast_in_dim3A_21 : vector<16xi32> to vector<16x1xi32>
        %gather3A_238 = vector.shape_cast %broadcast_in_dim3A_237 : vector<16x1xi32> to vector<16xi32>
        %gather3A_239 = tpu.dynamic_gather %get3A_166[%gather3A_238] in [0] : vector<16xi32>, vector<16xi32> -> vector<16xi32>
        %sub3A_240 = arith.subi %gather3A_239, %get3A_113 : vector<16xi32>
        %shift_right_arithmetic3A_241 = arith.constant 31 : i32
        %shift_right_arithmetic3A_242 = vector.broadcast %shift_right_arithmetic3A_241 : i32 to vector<16xi32>
        %shift_right_arithmetic3A_243 = arith.shrsi %sub3A_240, %shift_right_arithmetic3A_242 : vector<16xi32>
        %add3A_244 = arith.addi %add3A_212, %shift_right_arithmetic3A_243 : vector<16xi32>
        %broadcast_in_dim3A_245 = vector.shape_cast %broadcast_in_dim3A_23 : vector<16xi32> to vector<16x1xi32>
        %gather3A_246 = vector.shape_cast %broadcast_in_dim3A_245 : vector<16x1xi32> to vector<16xi32>
        %gather3A_247 = tpu.dynamic_gather %get3A_166[%gather3A_246] in [0] : vector<16xi32>, vector<16xi32> -> vector<16xi32>
        %sub3A_248 = arith.subi %gather3A_247, %get3A_113 : vector<16xi32>
        %shift_right_arithmetic3A_249 = arith.constant 31 : i32
        %shift_right_arithmetic3A_250 = vector.broadcast %shift_right_arithmetic3A_249 : i32 to vector<16xi32>
        %shift_right_arithmetic3A_251 = arith.shrsi %sub3A_248, %shift_right_arithmetic3A_250 : vector<16xi32>
        %add3A_252 = arith.addi %add3A_220, %shift_right_arithmetic3A_251 : vector<16xi32>
        %broadcast_in_dim3A_253 = vector.shape_cast %broadcast_in_dim3A_25 : vector<16xi32> to vector<16x1xi32>
        %gather3A_254 = vector.shape_cast %broadcast_in_dim3A_253 : vector<16x1xi32> to vector<16xi32>
        %gather3A_255 = tpu.dynamic_gather %get3A_166[%gather3A_254] in [0] : vector<16xi32>, vector<16xi32> -> vector<16xi32>
        %sub3A_256 = arith.subi %gather3A_255, %get3A_113 : vector<16xi32>
        %shift_right_arithmetic3A_257 = arith.constant 31 : i32
        %shift_right_arithmetic3A_258 = vector.broadcast %shift_right_arithmetic3A_257 : i32 to vector<16xi32>
        %shift_right_arithmetic3A_259 = arith.shrsi %sub3A_256, %shift_right_arithmetic3A_258 : vector<16xi32>
        %add3A_260 = arith.addi %add3A_228, %shift_right_arithmetic3A_259 : vector<16xi32>
        %broadcast_in_dim3A_261 = vector.shape_cast %broadcast_in_dim3A_27 : vector<16xi32> to vector<16x1xi32>
        %gather3A_262 = vector.shape_cast %broadcast_in_dim3A_261 : vector<16x1xi32> to vector<16xi32>
        %gather3A_263 = tpu.dynamic_gather %get3A_166[%gather3A_262] in [0] : vector<16xi32>, vector<16xi32> -> vector<16xi32>
        %sub3A_264 = arith.subi %gather3A_263, %get3A_113 : vector<16xi32>
        %shift_right_arithmetic3A_265 = arith.constant 31 : i32
        %shift_right_arithmetic3A_266 = vector.broadcast %shift_right_arithmetic3A_265 : i32 to vector<16xi32>
        %shift_right_arithmetic3A_267 = arith.shrsi %sub3A_264, %shift_right_arithmetic3A_266 : vector<16xi32>
        %add3A_268 = arith.addi %add3A_236, %shift_right_arithmetic3A_267 : vector<16xi32>
        %broadcast_in_dim3A_269 = vector.shape_cast %broadcast_in_dim3A_29 : vector<16xi32> to vector<16x1xi32>
        %gather3A_270 = vector.shape_cast %broadcast_in_dim3A_269 : vector<16x1xi32> to vector<16xi32>
        %gather3A_271 = tpu.dynamic_gather %get3A_166[%gather3A_270] in [0] : vector<16xi32>, vector<16xi32> -> vector<16xi32>
        %sub3A_272 = arith.subi %gather3A_271, %get3A_113 : vector<16xi32>
        %shift_right_arithmetic3A_273 = arith.constant 31 : i32
        %shift_right_arithmetic3A_274 = vector.broadcast %shift_right_arithmetic3A_273 : i32 to vector<16xi32>
        %shift_right_arithmetic3A_275 = arith.shrsi %sub3A_272, %shift_right_arithmetic3A_274 : vector<16xi32>
        %add3A_276 = arith.addi %add3A_244, %shift_right_arithmetic3A_275 : vector<16xi32>
        %broadcast_in_dim3A_277 = vector.shape_cast %broadcast_in_dim3A_31 : vector<16xi32> to vector<16x1xi32>
        %gather3A_278 = vector.shape_cast %broadcast_in_dim3A_277 : vector<16x1xi32> to vector<16xi32>
        %gather3A_279 = tpu.dynamic_gather %get3A_166[%gather3A_278] in [0] : vector<16xi32>, vector<16xi32> -> vector<16xi32>
        %sub3A_280 = arith.subi %gather3A_279, %get3A_113 : vector<16xi32>
        %shift_right_arithmetic3A_281 = arith.constant 31 : i32
        %shift_right_arithmetic3A_282 = vector.broadcast %shift_right_arithmetic3A_281 : i32 to vector<16xi32>
        %shift_right_arithmetic3A_283 = arith.shrsi %sub3A_280, %shift_right_arithmetic3A_282 : vector<16xi32>
        %add3A_284 = arith.addi %add3A_252, %shift_right_arithmetic3A_283 : vector<16xi32>
        %broadcast_in_dim3A_285 = vector.shape_cast %broadcast_in_dim3A_33 : vector<16xi32> to vector<16x1xi32>
        %gather3A_286 = vector.shape_cast %broadcast_in_dim3A_285 : vector<16x1xi32> to vector<16xi32>
        %gather3A_287 = tpu.dynamic_gather %get3A_166[%gather3A_286] in [0] : vector<16xi32>, vector<16xi32> -> vector<16xi32>
        %sub3A_288 = arith.subi %gather3A_287, %get3A_113 : vector<16xi32>
        %shift_right_arithmetic3A_289 = arith.constant 31 : i32
        %shift_right_arithmetic3A_290 = vector.broadcast %shift_right_arithmetic3A_289 : i32 to vector<16xi32>
        %shift_right_arithmetic3A_291 = arith.shrsi %sub3A_288, %shift_right_arithmetic3A_290 : vector<16xi32>
        %add3A_292 = arith.addi %add3A_260, %shift_right_arithmetic3A_291 : vector<16xi32>
        scf.yield %add3A_268, %add3A_276, %add3A_284, %add3A_292 : vector<16xi32>, vector<16xi32>, vector<16xi32>, vector<16xi32>
      }
      %add3A_146 = arith.addi %while3A_145#0, %while3A_145#1 : vector<16xi32>
      %add3A_147 = arith.addi %while3A_145#2, %while3A_145#3 : vector<16xi32>
      %add3A_148 = arith.addi %add3A_146, %add3A_147 : vector<16xi32>
      %neg3A = arith.constant 0 : i32
      %neg3A_149 = vector.broadcast %neg3A : i32 to vector<16xi32>
      %neg3A_150 = arith.subi %neg3A_149, %add3A_148 : vector<16xi32>
      %mul3A_151 = arith.constant 16 : i32
      %mul3A_152 = arith.muli %scan3A_107, %mul3A_151 : i32
      %swap3A = arith.index_cast %mul3A_152 : i32 to index
      %swap3A_153 = tpu.vector_load %arg5[%swap3A] {strides = array<i32>} : memref<64xi32, #tpu.memory_space<vmem>>, vector<16xi32>,
      %swap3A_154 = vector.shape_cast %swap3A_153 : vector<16xi32> to vector<16xi32>
      %swap3A_155 = vector.shape_cast %neg3A_150 : vector<16xi32> to vector<16xi32>
      tpu.vector_store %arg5[%swap3A], %swap3A_155 {strides = array<i32>} : memref<64xi32, #tpu.memory_space<vmem>>, vector<16xi32>,
      %add3A_156 = arith.addi %scan3A_108, %broadcast_in_dim3A_82 : vector<16xi32>
      scf.yield %add3A_156 : vector<16xi32>
    }
    %scan3A_106 = arith.constant 4 : i32
    "tpu.region"() ({
      %run_scoped3A = tpu.sem_alloc : memref<!tpu.dma_semaphore, #tpu.memory_space<semaphore_mem>>
      %dma_start3A = tpu.memref_slice %arg3[%mul3A_2] : memref<2048xi32, #tpu.memory_space<hbm>> -> memref<64xi32, #tpu.memory_space<hbm>>
      %dma_start3A_107 = tpu.memref_slice %arg3[%mul3A_2] : memref<2048xi32, #tpu.memory_space<hbm>> -> memref<64xi32, #tpu.memory_space<hbm>>
      tpu.enqueue_dma source(%arg5 : memref<64xi32, #tpu.memory_space<vmem>>) target(%dma_start3A_107 : memref<64xi32, #tpu.memory_space<hbm>>) target_semaphore(%run_scoped3A : memref<!tpu.dma_semaphore, #tpu.memory_space<semaphore_mem>>)
      %dma_wait3A = tpu.memref_slice %arg3[%mul3A_2] : memref<2048xi32, #tpu.memory_space<hbm>> -> memref<64xi32, #tpu.memory_space<hbm>>
      %dma_wait3A_108 = tpu.memref_slice %arg3[%mul3A_2] : memref<2048xi32, #tpu.memory_space<hbm>> -> memref<64xi32, #tpu.memory_space<hbm>>
      tpu.wait_dma2 semaphore(%run_scoped3A : memref<!tpu.dma_semaphore, #tpu.memory_space<semaphore_mem>>) src(%arg5 : memref<64xi32, #tpu.memory_space<vmem>>) dst(%dma_wait3A_108 : memref<64xi32, #tpu.memory_space<hbm>>)
      tpu.yield
    }) : () -> ()
    return
  }
}

module attributes {stable_mosaic.version = 14 : i64} {
  func.func @_decode_body(%arg0: memref<1x2048xi32, #tpu.memory_space<vmem>>, %arg1: memref<512x256xf32, #tpu.memory_space<vmem>>, %arg2: memref<2048x128xf32, #tpu.memory_space<vmem>>, %arg3: memref<512x128xf32, #tpu.memory_space<vmem>>) attributes {dimension_semantics = [], scalar_prefetch = 0 : i64, scratch_operands = 0 : i64, tpu.core_type = #tpu.core_type<tc>} {
    %get3A = arith.constant 0 : index
    %get3A_0 = arith.constant 0 : index
    %get3A_1 = vector.load %arg0[%get3A, %get3A_0] : memref<1x2048xi32, #tpu.memory_space<vmem>>, vector<1x2048xi32>
    %iota3A = tpu.iota {dimensions = array<i32: 0>} : vector<256x2048xi32>
    %eq3A = vector.broadcast %get3A_1 : vector<1x2048xi32> to vector<256x2048xi32>
    %eq3A_2 = arith.cmpi eq, %iota3A, %eq3A : vector<256x2048xi32>
    %jit3A = arith.constant 1.000000e+00 : f32
    %jit3A_3 = arith.constant 0.000000e+00 : f32
    %broadcast_in_dim3A = vector.broadcast %jit3A : f32 to vector<256x2048xf32>
    %broadcast_in_dim3A_4 = vector.broadcast %jit3A_3 : f32 to vector<256x2048xf32>
    %select_n3A = arith.select %eq3A_2, %broadcast_in_dim3A, %broadcast_in_dim3A_4 : vector<256x2048xi1>, vector<256x2048xf32>
    %get3A_5 = arith.constant 0 : index
    %get3A_6 = arith.constant 0 : index
    %get3A_7 = vector.load %arg2[%get3A_5, %get3A_6] : memref<2048x128xf32, #tpu.memory_space<vmem>>, vector<2048x128xf32>
    %dot_general3A = arith.constant dense<0.000000e+00> : vector<256x128xf32>
    %dot_general3A_8 = tpu.matmul %select_n3A, %get3A_7, %dot_general3A {dimension_numbers = #tpu.dot_dimension_numbers<[1], [0], [0], [1], [0, 0, 1, 1], [], []>, transpose_lhs_hint = false} : vector<256x2048xf32>, vector<2048x128xf32>, vector<256x128xf32> -> vector<256x128xf32>
    %get3A_9 = arith.constant 0 : index
    %get3A_10 = arith.constant 0 : index
    %get3A_11 = vector.load %arg1[%get3A_9, %get3A_10] : memref<512x256xf32, #tpu.memory_space<vmem>>, vector<512x256xf32>
    %dot_general3A_12 = arith.constant dense<0.000000e+00> : vector<512x128xf32>
    %dot_general3A_13 = tpu.matmul %get3A_11, %dot_general3A_8, %dot_general3A_12 {dimension_numbers = #tpu.dot_dimension_numbers<[1], [0], [0], [1], [0, 0, 1, 1], [], []>, transpose_lhs_hint = false} : vector<512x256xf32>, vector<256x128xf32>, vector<512x128xf32> -> vector<512x128xf32>
    %swap3A = arith.constant 0 : index
    %swap3A_14 = arith.constant 0 : index
    %swap3A_15 = vector.load %arg3[%swap3A, %swap3A_14] : memref<512x128xf32, #tpu.memory_space<vmem>>, vector<512x128xf32>
    tpu.vector_store %arg3[%swap3A, %swap3A_14], %dot_general3A_13 {strides = array<i32>} : memref<512x128xf32, #tpu.memory_space<vmem>>, vector<512x128xf32>,
    return
  }
}

</mosaic_0001>

<sc_bundles>
// kernel: kernel.4.cloned.1.call-start
scs
__scs_entry_jumppad:
0x0: {  	(pc) =	sbr.rel $0x88, $3  }
0x1: {  	(tag) =	ssettag $0x0;
	lr =	simm.s32 $0x1  }
0x2: {  	[smem:$0x3F9F] =	sst lr;
	_ =	strace $0xD0000000  }
0x3: {  	_ = 	snop  }
0x4: {  	_ = 	snop  }
0x5: {  	_ = 	snop  }
0x6: {  	_ = 	snop  }
0x7: {  	_ = 	snop  }
__scs_overlays_trampoline_lowered:
0x8: {  	[smem:$0x3FAE] =	sst s0  }
0x9: {  	[smem:$0x3FAF] =	sst s1  }
0xa: {  	[smem:$0x3FB0] =	sst s2  }
0xb: {  	[smem:$0x3FB1] =	sst s3  }
0xc: {  	[smem:$0x3FB2] =	sst s4  }
0xd: {  	[smem:$0x3FB3] =	sst s5  }
0xe: {  	[smem:$0x3FB4] =	sst s6  }
0xf: {  	[smem:$0x3FB5] =	sst s7  }
0x10: {  	[smem:$0x3FB6] =	sst s8  }
0x11: {  	[smem:$0x3FB7] =	sst s9;
	s0 =	simm.s32 @!p0 $0x0  }
0x12: {  	s1 =	sld [smem:$0x3F9D];
	s0 =	simm.s32 @p0 $0x1  }
0x13: {  	[smem:$0x3FB8] =	sst s0;
	s0 =	simm.s32 @!p1 $0x0  }
0x14: {  	s2 =	sld [smem:$0x3F9C];
	s0 =	simm.s32 @p1 $0x1  }
0x15: {  	[smem:$0x3FB9] =	sst s0;
	s0 =	simm.s32 @!p2 $0x0  }
0x16: {  	s3 =	sld [smem:$0x3FDB];
	s0 =	simm.s32 @p2 $0x1  }
0x17: {  	s4 =	simm.s32 $0x1BF5;
	[smem:$0x3FBB] =	sst s0  }
0x18: {  	s0 =	sld [smem:$0x3F9E];
	_ =	swait.ge [sflag:s4], $0x0  }
0x19: {  	s7 =	sld [smem:$0x3F9F]  }
0x1a: {  	s8 =	sadd.s32 $0xFFFFE003, lr  }
0x1b: {  	s9 =	sadd.s32 $0xFFFFFEF7, lr;
	s5 =	simm.s32 $0xFFFFFFFF;
	p2 =	slt.u32 s8, $0xFFFFF086  }
0x1c: {  	p1 =	slt.u32 s9, $0xF7A;
	s5 =	simm.s32 @!p2 $0x0  }
0x1d: {  	s5 =	simm.s32 @p1 $0x1;
	p0 =	seq.s32 s7, s2  }
0x1e: {  	s7 =	smul.u32 @!p0 $0xF7A, s2;
	p2 =	seq.s32 @!p0 s5, $0x0  }
0x1f: {  	s9 =	smul.u32 $0xF7A, s1;
	s8 =	simm.s32 @!p0 $0x1BF5;
	p2 =	por !p2, p0  }
0x20: {  	[sflag:s8] =	ssyncset.s32 @!p0 $0xFFFFF086;
	s6 =	sadd.s32 @!p0 s3, s7;
	s7 =	simm.s32 @!p0 $0x108  }
0x21: {  	s3 =	sadd.s32 s3, s9;
	s6 =	sadd.s32 @!p0 $0x88, s6;
	s7 =	simm.s32 @p2 $0x1082  }
0x22: {  	[simem:s7], [sflag:s8] =	dma.local @!p0 [hbm:s6], $0xF7A  }
0x23: {  	s9 =	sor.u32 $0xD0000000, s2;
	s6 =	simm.s32 $0x108;
	_ =	swait.ge @!p0 [sflag:s8], $0x0  }
0x24: {  	s3 =	sadd.s32 $0x88, s3;
	s6 =	simm.s32 @!p1 $0x1082;
	[sflag:s4] =	ssyncset.s32 $0xFFFFF086  }
0x25: {  	[simem:s6], [sflag:s4] =	dma.local [hbm:s3], $0xF7A  }
0x26: {  	[smem:$0x3F9F] =	sst s1;
	(tag) =	ssettag s2;
	_ =	strace s9  }
0x27: {  	s1 =	sld [smem:$0x3FAF]  }
0x28: {  	s2 =	sld [smem:$0x3FB0]  }
0x29: {  	s4 =	sld [smem:$0x3FB2]  }
0x2a: {  	p0 =	seq.s32 s5, $0x0;
	s5 =	sld [smem:$0x3FB3]  }
0x2b: {  	s6 =	sld [smem:$0x3FB4]  }
0x2c: {  	s7 =	sld [smem:$0x3FB5]  }
0x2d: {  	s3 =	simm.s32 $0x108;
	s8 =	sld [smem:$0x3FB6]  }
0x2e: {  	s3 =	simm.s32 @!p0 $0x1082;
	s9 =	sld [smem:$0x3FB7]  }
0x2f: {  	lr =	sadd.s32 s0, s3;
	s0 =	sld [smem:$0x3FAE]  }
0x30: {  	s3 =	sld [smem:$0x3FB1]  }
0x31: {  	[smem:$0x3FBA] =	sst s10  }
0x32: {  	s10 =	sld [smem:$0x3FB8];
	_ =	sdelay $0x3  }
0x33: {  	p0 =	seq.s32 s10, $0x1;
	s10 =	sld [smem:$0x3FBA];
	_ =	sdelay $0x3  }
0x34: {  	[smem:$0x3FBA] =	sst s10  }
0x35: {  	s10 =	sld [smem:$0x3FB9];
	_ =	sdelay $0x3  }
0x36: {  	p1 =	seq.s32 s10, $0x1;
	s10 =	sld [smem:$0x3FBA];
	_ =	sdelay $0x3  }
0x37: {  	[smem:$0x3FBA] =	sst s10  }
0x38: {  	s10 =	sld [smem:$0x3FBB]  }
0x39: {  	_ = 	snop;
	(pc) =	sbr.ind lr, $3  }
0x3a: {  	_ = 	snop  }
0x3b: {  	_ = 	snop  }
0x3c: {  	p2 =	seq.s32 s10, $0x1;
	s10 =	sld [smem:$0x3FBA]  }
0x3d: {  	_ =	shalt  }
0x3e: {  	_ =	shalt  }
0x3f: {  	_ =	shalt  }
0x40: {  	_ =	shalt  }
0x41: {  	_ =	shalt  }
0x42: {  	_ =	shalt  }
0x43: {  	_ =	shalt  }
0x44: {  	_ =	shalt  }
0x45: {  	_ =	shalt  }
0x46: {  	_ =	shalt  }
0x47: {  	_ =	shalt  }
0x48: {  	_ =	shalt  }
0x49: {  	_ =	shalt  }
0x4a: {  	_ =	shalt  }
0x4b: {  	_ =	shalt  }
0x4c: {  	_ =	shalt  }
0x4d: {  	_ =	shalt  }
0x4e: {  	_ =	shalt  }
0x4f: {  	_ =	shalt  }
0x50: {  	_ =	shalt  }
0x51: {  	_ =	shalt  }
0x52: {  	_ =	shalt  }
0x53: {  	_ =	shalt  }
0x54: {  	_ =	shalt  }
0x55: {  	_ =	shalt  }
0x56: {  	_ =	shalt  }
0x57: {  	_ =	shalt  }
0x58: {  	_ =	shalt  }
0x59: {  	_ =	shalt  }
0x5a: {  	_ =	shalt  }
0x5b: {  	_ =	shalt  }
0x5c: {  	_ =	shalt  }
0x5d: {  	_ =	shalt  }
0x5e: {  	_ =	shalt  }
0x5f: {  	_ =	shalt  }
0x60: {  	_ =	shalt  }
0x61: {  	_ =	shalt  }
0x62: {  	_ =	shalt  }
0x63: {  	_ =	shalt  }
0x64: {  	_ =	shalt  }
0x65: {  	_ =	shalt  }
0x66: {  	_ =	shalt  }
0x67: {  	_ =	shalt  }
0x68: {  	_ =	shalt  }
0x69: {  	_ =	shalt  }
0x6a: {  	_ =	shalt  }
0x6b: {  	_ =	shalt  }
0x6c: {  	_ =	shalt  }
0x6d: {  	_ =	shalt  }
0x6e: {  	_ =	shalt  }
0x6f: {  	_ =	shalt  }
0x70: {  	_ =	shalt  }
0x71: {  	_ =	shalt  }
0x72: {  	_ =	shalt  }
0x73: {  	_ =	shalt  }
0x74: {  	_ =	shalt  }
0x75: {  	_ =	shalt  }
0x76: {  	_ =	shalt  }
0x77: {  	_ =	shalt  }
0x78: {  	_ =	shalt  }
0x79: {  	_ =	shalt  }
0x7a: {  	_ =	shalt  }
0x7b: {  	_ =	shalt  }
0x7c: {  	_ =	shalt  }
0x7d: {  	_ =	shalt  }
0x7e: {  	_ =	shalt  }
0x7f: {  	_ =	shalt  }
0x80: {  	_ =	shalt  }
0x81: {  	_ =	shalt  }
0x82: {  	_ =	shalt  }
0x83: {  	_ =	shalt  }
0x84: {  	_ =	shalt  }
0x85: {  	_ =	shalt  }
0x86: {  	_ =	shalt  }
0x87: {  	_ =	shalt  }
.Lfunc_end0:
.L_simem_size_0:
called_computation_lowered:
.L_overlay_start_0:
0x88: {  	s2 =	sld [smem:$0x3FD9]  }
0x89: {  	s3 =	sld [smem:$0x3FFE];
	_ =	sdelay $0x1  }
0x8a: {  	s1 =	srdreg.scid  }
0x8b: {  	s0 =	sand.u32 $0x1, s1  }
0x8c: {  	s17 =	sshll.u32 s0, $0xA;
	s2 =	sadd.s32 s3, s2  }
0x8d: {  	s2 =	sadd.s32 s2, s17  }
0x8e: {  	[smem:$0x3FC6] =	sst s2  }
0x8f: {  	_ = 	snop  }
0x90: {  	s2 =	sld [smem:$0x3FD0];
	(tm) =	ssettm $0x1  }
0x91: {  	s18 =	sld [smem:$0x3FFB];
	_ =	sdelay $0x3  }
0x92: {  	_ =	strace s18  }
0x93: {  	s3 =	sld [smem:$0x3FFC];
	_ =	sdelay $0x3  }
0x94: {  	_ =	strace s3  }
0x95: {  	s3 =	sld [smem:$0x3FFD];
	_ =	sdelay $0x3  }
0x96: {  	_ =	strace s3  }
0x97: {  	_ =	strace $0x8FFFFFFF  }
0x98: {  	s19 =	sld [smem:$0x3FDB];
	_ =	sdelay $0x1  }
0x99: {  	s4 =	simm.s32 $_scs_section_size  }
0x9a: {  	s5 =	simm.s32 $_size__tile_overlayer_lowered;
	s6 =	simm.s32 $_tile_overlayer_lowered  }
0x9b: {  	s22 =	simm.s32 $0x1BFF;
	s21 =	sshll.u32 s6, $0x1;
	s3 =	sadd.s32 s4, s19  }
0x9c: {  	s7 =	simm.s32 $0x0;
	s20 =	sshll.u32 s5, $0x1;
	s5 =	sadd.s32 s21, s3  }
0x9d: {  	[timem:s7], [sflag:s22] =	dma.local [hbm:s5], s20  }
0x9e: {  	_ =	swait.ge [sflag:s22], s20  }
0x9f: {  	s4 =	ssub.s32 $0x0, s20;
	[sflag:s22] =	ssyncset.done $0x0  }
0xa0: {  	[sflag:s22] =	ssyncadd.s32 s4;
	_ =	sdelay $0x1  }
0xa1: {  	s23 =	simm.s32 $0x1B8B  }
0xa2: {  	_ =	swait.ge [sflag:s23], $0x1  }
0xa3: {  	[sflag:s23] =	ssyncset.done $0x0  }
0xa4: {  	s25 =	simm.s32 $0x1B8E;
	s24 =	sld [smem:$0x3FFE];
	[sflag:s23] =	ssyncadd.s32 $0xFFFFFFFF  }
0xa5: {  	s26 =	simm.s32 $execute0_lowered;
	[smem:$0x3FD2] =	sst s25  }
0xa6: {  	s5 =	sshll.u32 s26, $0x1;
	_ =	strace $0x80000046;
	[dreg:$0x1] =	wrdreg $0xFFFFFFFF  }
0xa7: {  	s28 =	simm.s32 $_size_execute0_lowered;
	s3 =	sadd.s32 s3, s5;
	[dreg:$0x0] =	wrdreg $0x0  }
0xa8: {  	s5 =	sshll.u32 s28, $0x1;
	[dreg:$0x2] =	wrdreg s3  }
0xa9: {  	[dreg:$0x3] =	wrdreg s5  }
0xaa: {  	[dreg:$0x4] =	wrdreg $0xC0  }
0xab: {  	_ =	task [dreg:s7], $0x5FFFF  }
0xac: {  	[dreg:$0x1] =	wrdreg $0xFFFFFFFF  }
0xad: {  	[dreg:$0x0] =	wrdreg $0x60  }
0xae: {  	[dreg:$0x2] =	wrdreg s2  }
0xaf: {  	[dreg:$0x3] =	wrdreg s24  }
0xb0: {  	[dreg:$0x4] =	wrdreg $0x9  }
0xb1: {  	_ =	task.clear_ibuf [dreg:s7], $0x5FFFF;
	_ =	strace $0x90000046  }
0xb2: {  	s29 =	simm.s32 $0x9;
	_ =	strace $0x80000048  }
0xb3: {  	_ =	swait.ge [sflag:s29], $0x1  }
0xb4: {  	[sflag:s29] =	ssyncadd.s32 $0xFFFFFFFF  }
0xb5: {  	_ =	strace $0x90000048  }
0xb6: {  	_ =	sfence  }
0xb7: {  	s30 =	sld [smem:$0x0];
	_ =	sdelay $0x2  }
0xb8: {  	s31 =	sshll.u32 s1, $0xD;
	s1 =	sshrl.u32 s1, $0x2  }
0xb9: {  	s3 =	sand.u32 $0x4000, s31;
	s1 =	sadd.s32 s1, s30  }
0xba: {  	s0 =	sor.u32 s3, s0;
	s1 =	sshll.u32 s1, $0x11  }
0xbb: {  	s0 =	sor.u32 s1, s0  }
0xbc: {  	s0 =	sadd.s32 $0x8F2B, s0  }
0xbd: {  	[sflag:s0] =	ssyncadd.remote.s32 $0x1  }
0xbe: {  	_ =	sfence.sel $0xFFFF  }
0xbf: {  	[dreg:$0x0] =	wrdreg $0xFFFFFFFF;
	(pc) =	sbr.abs _section_cstart, $3  }
0xc0: {  	[dreg:$0x1] =	wrdreg $0xFFFFFFFF  }
0xc1: {  	_ =	task.clear_ibuf [dreg:s7], $0x2FFFF;
	_ =	strace $0x9FFFFFFF  }
0xc2: {  	(tm) =	ssettm $0x7FFFFFFF  }
0xc3: {  	_ =	shalt  }
tec
execute0_lowered:
.L_overlay_start_1:
0x0: {  	(tag) =	ssettag $0x1  }
0x1: {  	v0 =	vlaneseq.u32;
	s2 =	srdreg.scid;
	s1 =	rddreg [dreg:$0x0]  }
0x2: {  	s0 =	stileid.u32;
	v1 =	vimm.s32 $0x0;
	v2 =	vimm.s32 $0x1;
	s4 =	rddreg [dreg:$0x1];
	v4 =	vimm.s32 $0x2;
	s3 =	simm.s32 $0x0  }
0x3: {  	v6 =	vimm.s32 $0x3;
	v8 =	vimm.s32 $0x4;
	v10 =	vimm.s32 $0x5;
	s5 =	sand.u32 $0x1, s2;
	s7 =	sshll.u32 s0, $0x6;
	s2 =	rddreg [dreg:$0x2]  }
0x4: {  	v12 =	vimm.s32 $0x6;
	v14 =	vimm.s32 $0x7;
	v16 =	vimm.s32 $0x8;
	[smem:$0x7FF] =	sst s3;
	s10 =	sshll.u32 s0, $0x8;
	s6 =	sshll.u32 s5, $0xA  }
0x5: {  	v18 =	vimm.s32 $0x9;
	v20 =	vimm.s32 $0xA;
	v0 =	vmul.u32 $0xFFFFFFFF, v0;
	s28 =	ssub.s32 $0x2, s5;
	_ =	strace $0x80000047;
	s9 =	sshll.u32 s5, $0xC  }
0x6: {  	v22 =	vimm.s32 $0xB;
	v24 =	vimm.s32 $0xC;
	v26 =	vimm.s32 $0xD;
	s11 =	sor.u32 s7, s6;
	s29 =	sshrl.u32 s28, $0x1;
	s31 =	sor.u32 s10, s9  }
0x7: {  	v28 =	vimm.s32 $0xE;
	v30 =	vimm.s32 $0xF;
	v3 =	vadd.s32 $0x1, v0;
	s9 =	simm.s32 $0x1;
	s10 =	simm.s32 $0x800;
	s6 =	sshrl.u32 s11, $0x3  }
.Ltmp0:
0x8: {  	v5 =	vadd.s32 $0x2, v0;
	v7 =	vadd.s32 $0x3, v0;
	v9 =	vadd.s32 $0x4, v0;
	s30 =	sshrl.u32 s11, $0x4;
	s12 =	sshrl.u32 s31, $0x2;
	(pc) =	sbr.rel .LBB2_1-.Ltmp0, $4  }
0x9: {  	v11 =	vadd.s32 $0x5, v0;
	p0 =	seq.s32 s11, $0x0;
	p1 =	seq.s32 s11, $0x7C0;
	v31 =	vmov s11;
	s11 =	simm.s32 $0x0;
	v32 =	vmov s12  }
0xa: {  	v13 =	vadd.s32 $0x6, v0;
	v15 =	vadd.s32 $0x7, v0;
	v17 =	vadd.s32 $0x8, v0;
	s4 =	sadd.s32 s6, s4;
	s6 =	ssub.s32 s28, s29;
	s8 =	smax.u32 s30, $0x1  }
0xb: {  	v19 =	vadd.s32 $0x9, v0;
	v21 =	vadd.s32 $0xA, v0;
	v23 =	vadd.s32 $0xB, v0;
	s5 =	smax.u32 s6, $0x1;
	s6 =	sshll.u32 s8, $0x6;
	s8 =	sadd.s32 $0x100, s31  }
0xc: {  	v25 =	vadd.s32 $0xC, v0;
	v27 =	vadd.s32 $0xD, v0;
	v29 =	vadd.s32 $0xE, v0;
	s7 =	sor.u32 $0x3, s30;
	s4 =	sadd.s32 $0x600, s4;
	s8 =	sshrl.u32 s8, $0x2  }
.LBB2_13:
0xd: {  	s11 =	sadd.s32 $0x1, s11  }
0xe: {  	p2 =	sne.s32 s11, s5  }
.Ltmp1:
0xf: {  	_ = 	snop;
	(pc) =	sbr.rel @!p2 .LBB2_14-.Ltmp1, $4  }
0x10: {  	[hbm4b:s4+s3] =	stream.linear.scatter [tilespmem:s10], [sflag:$0x1], $0x40, $0x38;
	[tilespmem:$0x880] =	vst v63  }
0x11: {  	_ =	swait.ge [sflag:s9], $0x40  }
0x12: {  	[sflag:s9] =	ssyncset.done $0x0  }
0x13: {  	[sflag:s9] =	ssyncadd.s32 $0xFFFFFFC0  }
.LBB2_1:
.Ltmp2:
0x14: {  	(pc) =	sbr.rel .LBB2_2-.Ltmp2, $4  }
0x15: {  	[tilespmem:s3], [sflag:$0x1] =	stream.linear.gather [hbm4b:s1+s3], $0x800, $0x38;
	[tilespmem:$0x880] =	vst v63  }
0x16: {  	_ =	swait.ge [sflag:s9], $0x800  }
0x17: {  	[sflag:s9] =	ssyncset.done $0x0  }
0x18: {  	v33 =	vimm.s32 $0x0;
	s12 =	simm.s32 $0x0;
	[sflag:s9] =	ssyncadd.s32 $0xFFFFF800  }
.LBB2_11:
0x19: {  	v44 =	vsub.s32 v44, v34;
	v39 =	vsub.s32 v39, v34;
	v61 =	vsub.s32 v40, v34  }
0x1a: {  	v35 =	vadd.s32 v35, v46;
	v43 =	vadd.s32 v37, v43;
	v62 =	vshra.s32 v44, $0x1F  }
0x1b: {  	v39 =	vshra.s32 v39, $0x1F;
	v34 =	vshra.s32 v61, $0x1F;
	v35 =	vadd.s32 v62, v35  }
0x1c: {  	v63 =	vshra.s32 v41, $0x1F;
	v38 =	vadd.s32 v39, v38;
	v34 =	vadd.s32 v34, v35  }
0x1d: {  	v37 =	vadd.s32 v45, v38;
	v38 =	vadd.s32 v36, v42;
	v35 =	vadd.s32 v63, v34  }
.LBB2_12:
0x1e: {  	s12 =	sadd.s32 $0x1, s12  }
0x1f: {  	p2 =	sne.s32 s12, $0x4  }
.Ltmp3:
0x20: {  	_ = 	snop;
	(pc) =	sbr.rel @!p2 .LBB2_13-.Ltmp3, $4  }
0x21: {  	v34 =	vadd.s32 v43, v37;
	v35 =	vadd.s32 v35, v38  }
0x22: {  	v34 =	vadd.s32 v35, v34  }
0x23: {  	v34 =	vsub.s32 $0x0, v34  }
0x24: {  	v33 =	vadd.s32 $0x10, v33;
	[tilespmem:s13+$0x800] =	vst v34  }
.LBB2_2:
0x25: {  	_ =	sdelay $0x2  }
0x26: {  	s13 =	sshll.u32 s12, $0x4  }
.Ltmp4:
0x27: {  	v34 =	vld.idx.msk [tilespmem:v31+s13+$0x0 ss:$0x1], $0xffff;
	(pc) =	sbr.rel @p0 .LBB2_6-.Ltmp4, $3  }
0x28: {  	_ =	sdelay $0x1  }
0x29: {  	v36 =	vimm.s32 $0x0;
	v35 =	vimm.s32 $0x0  }
0x2a: {  	v43 =	vimm.s32 $0x0;
	v41 =	vimm.s32 $0x0;
	v42 =	vimm.s32 $0x0  }
0x2b: {  	s14 =	simm.s32 $0x0  }
0x2c: {  	v39 =	vld [tilespmem:s14+$0x0];
	_ =	sdelay $0x4  }
0x2d: {  	v37 =	vperm.xlane v39, v1  }
0x2e: {  	v38 =	vperm.xlane v39, v28;
	v40 =	vperm.xlane v39, v4  }
0x2f: {  	v41 =	vperm.xlane v39, v26;
	v43 =	vperm.xlane v39, v8  }
0x30: {  	v53 =	vperm.xlane v39, v12;
	v44 =	vperm.xlane v39, v20  }
0x31: {  	v45 =	vperm.xlane v39, v2;
	v56 =	vperm.xlane v39, v24  }
0x32: {  	v35 =	vadd.s32 $0x1, v34;
	v57 =	vperm.xlane v39, v10;
	v58 =	vperm.xlane v39, v30  }
0x33: {  	v50 =	vperm.xlane v39, v18;
	v42 =	vsub.s32 v37, v35;
	v51 =	vsub.s32 v38, v35  }
0x34: {  	v52 =	vsub.s32 v40, v35;
	v46 =	vsub.s32 v53, v35;
	v54 =	vsub.s32 v41, v35  }
0x35: {  	v55 =	vsub.s32 v43, v35;
	v41 =	vperm.xlane v39, v16;
	v48 =	vsub.s32 v44, v35  }
0x36: {  	v45 =	vsub.s32 v45, v35;
	v53 =	vsub.s32 v57, v35;
	v43 =	vsub.s32 v58, v35  }
0x37: {  	v44 =	vperm.xlane v39, v14;
	v61 =	vsub.s32 v50, v35;
	v37 =	vshra.s32 v51, $0x1F  }
0x38: {  	v42 =	vshra.s32 v42, $0x1F;
	v38 =	vshra.s32 v52, $0x1F;
	v40 =	vshra.s32 v55, $0x1F  }
0x39: {  	v51 =	vsub.s32 v56, v35;
	v52 =	vperm.xlane v39, v6;
	v45 =	vshra.s32 v45, $0x1F  }
0x3a: {  	p2 =	sne.s32 s6, $0x40;
	v59 =	vshra.s32 v48, $0x1F;
	v60 =	vshra.s32 v53, $0x1F;
	v46 =	vshra.s32 v46, $0x1F  }
.Ltmp5:
0x3b: {  	v63 =	vshra.s32 v61, $0x1F;
	v47 =	vadd.s32 v36, v42;
	v49 =	vadd.s32 v36, v38;
	(pc) =	sbr.rel @!p2 .LBB2_5-.Ltmp5, $4  }
0x3c: {  	v38 =	vshra.s32 v54, $0x1F;
	v42 =	vperm.xlane v39, v22;
	v45 =	vadd.s32 v36, v45  }
0x3d: {  	v39 =	vimm.s32 $0x0;
	v40 =	vadd.s32 v40, v47;
	v62 =	vsub.s32 v52, v35  }
0x3e: {  	v45 =	vadd.s32 v60, v45;
	v49 =	vadd.s32 v46, v49;
	v47 =	vshra.s32 v51, $0x1F  }
0x3f: {  	s15 =	simm.s32 $0x10;
	s14 =	sadd.s32 $0xFFFFFFC0, s6;
	v48 =	vshra.s32 v62, $0x1F;
	v46 =	vadd.s32 v63, v45;
	v45 =	vadd.s32 v59, v49  }
.LBB2_4:
0x40: {  	v49 =	vld [tilespmem:s15+$0x0];
	p2 =	sne.s32 s14, $0x40;
	s14 =	sadd.s32 $0xFFFFFFC0, s14;
	v44 =	vsub.s32 v44, v35;
	v41 =	vsub.s32 v41, v35;
	v42 =	vsub.s32 v42, v35  }
0x41: {  	v39 =	vadd.s32 v39, v48;
	v44 =	vshra.s32 v44, $0x1F;
	v41 =	vshra.s32 v41, $0x1F  }
0x42: {  	v39 =	vadd.s32 v44, v39;
	v40 =	vadd.s32 v41, v40;
	v41 =	vshra.s32 v42, $0x1F  }
0x43: {  	v46 =	vadd.s32 v38, v46;
	v38 =	vshra.s32 v43, $0x1F;
	v39 =	vadd.s32 v41, v39  }
0x44: {  	v40 =	vadd.s32 v47, v40;
	v41 =	vadd.s32 v37, v45;
	v39 =	vadd.s32 v38, v39  }
0x45: {  	v37 =	vperm.xlane v49, v1;
	v38 =	vperm.xlane v49, v28  }
0x46: {  	v42 =	vperm.xlane v49, v4;
	v43 =	vperm.xlane v49, v26  }
0x47: {  	v45 =	vperm.xlane v49, v8;
	v44 =	vsub.s32 v37, v35;
	v37 =	vsub.s32 v38, v35  }
0x48: {  	v38 =	vsub.s32 v42, v35;
	v42 =	vperm.xlane v49, v12;
	v37 =	vshra.s32 v37, $0x1F  }
0x49: {  	v47 =	vperm.xlane v49, v20;
	v44 =	vshra.s32 v44, $0x1F;
	v38 =	vshra.s32 v38, $0x1F  }
0x4a: {  	v48 =	vperm.xlane v49, v2;
	v50 =	vsub.s32 v42, v35;
	v42 =	vsub.s32 v43, v35  }
0x4b: {  	v40 =	vadd.s32 v40, v44;
	v51 =	vadd.s32 v41, v38;
	v38 =	vshra.s32 v42, $0x1F  }
0x4c: {  	v43 =	vsub.s32 v45, v35;
	v41 =	vperm.xlane v49, v16;
	v42 =	vperm.xlane v49, v22  }
0x4d: {  	v45 =	vsub.s32 v47, v35;
	v44 =	vperm.xlane v49, v24;
	v43 =	vshra.s32 v43, $0x1F  }
0x4e: {  	v47 =	vperm.xlane v49, v30;
	v40 =	vadd.s32 v43, v40;
	v43 =	vperm.xlane v49, v10  }
0x4f: {  	v52 =	vperm.xlane v49, v18;
	v48 =	vsub.s32 v48, v35;
	v53 =	vsub.s32 v44, v35  }
0x50: {  	v54 =	vperm.xlane v49, v6;
	v55 =	vsub.s32 v43, v35;
	v43 =	vsub.s32 v47, v35  }
.Ltmp6:
0x51: {  	v45 =	vshra.s32 v45, $0x1F;
	v44 =	vperm.xlane v49, v14;
	v47 =	vshra.s32 v48, $0x1F;
	(pc) =	sbr.rel @p2 .LBB2_4-.Ltmp6, $4  }
0x52: {  	v49 =	vsub.s32 v52, v35;
	v46 =	vadd.s32 v46, v47;
	v47 =	vshra.s32 v55, $0x1F  }
0x53: {  	v48 =	vsub.s32 v54, v35;
	v46 =	vadd.s32 v47, v46;
	v47 =	vshra.s32 v50, $0x1F  }
0x54: {  	v49 =	vshra.s32 v49, $0x1F;
	v48 =	vshra.s32 v48, $0x1F;
	v47 =	vadd.s32 v47, v51  }
0x55: {  	s15 =	sadd.s32 $0x10, s15;
	v46 =	vadd.s32 v49, v46;
	v45 =	vadd.s32 v45, v47;
	v47 =	vshra.s32 v53, $0x1F  }
.LBB2_5:
0x56: {  	v44 =	vsub.s32 v44, v35;
	v41 =	vsub.s32 v41, v35;
	v61 =	vsub.s32 v42, v35  }
0x57: {  	v39 =	vadd.s32 v39, v48;
	v63 =	vshra.s32 v43, $0x1F;
	v62 =	vshra.s32 v44, $0x1F  }
0x58: {  	v41 =	vshra.s32 v41, $0x1F;
	v35 =	vshra.s32 v61, $0x1F;
	v39 =	vadd.s32 v62, v39  }
0x59: {  	v43 =	vadd.s32 v37, v45;
	v40 =	vadd.s32 v41, v40;
	v35 =	vadd.s32 v35, v39  }
0x5a: {  	v41 =	vadd.s32 v38, v46;
	v42 =	vadd.s32 v47, v40;
	v35 =	vadd.s32 v63, v35  }
.LBB2_6:
0x5b: {  	_ =	sdelay $0x2  }
0x5c: {  	s14 =	simm.s32 $0x0  }
0x5d: {  	v44 =	vld.idx.msk [tilespmem:v32+s14+$0x0 ss:$0x1], $0xffff;
	_ =	sdelay $0x4  }
0x5e: {  	v38 =	vperm.xlane v44, v1  }
0x5f: {  	v39 =	vperm.xlane v44, v26;
	v40 =	vperm.xlane v44, v4  }
0x60: {  	v45 =	vperm.xlane v44, v18;
	v46 =	vperm.xlane v44, v14  }
0x61: {  	v47 =	vperm.xlane v44, v12;
	v60 =	vperm.xlane v44, v20  }
0x62: {  	v50 =	vperm.xlane v44, v24;
	v51 =	vperm.xlane v44, v22  }
0x63: {  	v37 =	vadd.s32 $0x10, v36;
	v52 =	vperm.xlane v44, v8;
	v53 =	vperm.xlane v44, v16  }
0x64: {  	v36 =	vsub.s32 v36, v33;
	v54 =	vperm.xlane v44, v2;
	v63 =	vperm.xlane v44, v30  }
0x65: {  	v38 =	vsub.s32 v38, v34;
	v39 =	vsub.s32 v39, v34;
	v40 =	vsub.s32 v40, v34  }
0x66: {  	v59 =	vsub.s32 v46, v34;
	v46 =	vsub.s32 v47, v34;
	v47 =	vsub.s32 v60, v34  }
0x67: {  	v51 =	vsub.s32 v51, v34;
	v53 =	vsub.s32 v53, v34;
	v45 =	vsub.s32 v45, v34  }
0x68: {  	v52 =	vsub.s32 v52, v34;
	vm0 =	vgt.s32 v38, $0x0;
	vm1 =	vlt.s32 v39, $0x0  }
0x69: {  	vm2 =	vgt.s32 v40, $0x0;
	vm3 =	vgt.s32 v39, $0x0;
	vm9 =	vlt.s32 v38, $0x0  }
0x6a: {  	vm5 =	vlt.s32 v40, $0x0;
	v40 =	vperm.xlane v44, v10;
	vm10 =	vgt.s32 v59, $0x0  }
0x6b: {  	vm11 =	vlt.s32 v59, $0x0;
	vm12 =	vgt.s32 v51, $0x0;
	vm13 =	vgt.s32 v53, $0x0  }
0x6c: {  	vm14 =	vlt.s32 v51, $0x0;
	vm15 =	vlt.s32 v53, $0x0;
	vm4 =	vgt.s32 v47, $0x0  }
0x6d: {  	vm6 =	vgt.s32 v52, $0x0;
	v51 =	vsub.s32 v63, v34;
	vm7 =	vlt.s32 v46, $0x0  }
0x6e: {  	v63 =	vperm.xlane v44, v28;
	v48 =	vsel vm0, $0x1, v1;
	v49 =	vsel vm2, $0x1, v1  }
0x6f: {  	v39 =	vsel vm3, $0x1, v1;
	v62 =	vsel vm10, $0x1, v1;
	v55 =	vsel vm12, $0x1, v1  }
0x70: {  	v56 =	vsel vm13, $0x1, v1;
	vm2 =	vlt.s32 v47, $0x0;
	vm0 =	vlt.s32 v45, $0x0  }
0x71: {  	vm3 =	vgt.s32 v51, $0x0;
	vm12 =	vgt.s32 v46, $0x0;
	v39 =	vsel vm1, $0xFFFFFFFF, v39  }
0x72: {  	v57 =	vsel vm9, $0xFFFFFFFF, v48;
	v58 =	vsel vm14, $0xFFFFFFFF, v55;
	v59 =	vsub.s32 v40, v34  }
0x73: {  	vm1 =	vgt.s32 v45, $0x0;
	v49 =	vsel vm5, $0xFFFFFFFF, v49;
	vm5 =	vlt.s32 v51, $0x0  }
0x74: {  	v55 =	vsel vm4, $0x1, v1;
	v39 =	vshll.u32 v39, $0xC;
	v48 =	vshll.u32 v58, $0xC  }
0x75: {  	v60 =	vshll.u32 v57, $0xC;
	vm8 =	vgt.s32 v59, $0x0;
	v58 =	vshll.u32 v49, $0xC  }
0x76: {  	vm13 =	vlt.s32 v59, $0x0;
	v59 =	vsel vm12, $0x1, v1;
	v61 =	vadd.s32 v39, v36  }
0x77: {  	v39 =	vsel vm11, $0xFFFFFFFF, v62;
	v48 =	vadd.s32 v48, v36;
	v62 =	vsel vm15, $0xFFFFFFFF, v56  }
0x78: {  	v57 =	vsel vm8, $0x1, v1;
	v46 =	vadd.s32 v58, v36;
	v49 =	vsel vm7, $0xFFFFFFFF, v59  }
0x79: {  	v45 =	vadd.s32 v60, v36;
	v60 =	vperm.xlane v44, v6;
	vm15 =	vlt.s32 v52, $0x0  }
0x7a: {  	v58 =	vsub.s32 v54, v34;
	v38 =	vadd.s32 v27, v61;
	v39 =	vshll.u32 v39, $0xC  }
0x7b: {  	v61 =	vadd.s32 v23, v48;
	v47 =	vshll.u32 v62, $0xC;
	v48 =	vsub.s32 v50, v34  }
0x7c: {  	v53 =	vsel vm13, $0xFFFFFFFF, v57;
	v46 =	vadd.s32 v5, v46;
	v49 =	vshll.u32 v49, $0xC  }
0x7d: {  	v50 =	vsub.s32 v63, v34;
	v45 =	vadd.s32 v0, v45;
	vm13 =	vgt.s32 v58, $0x0  }
0x7e: {  	v38 =	vshra.s32 v38, $0x1F;
	v39 =	vadd.s32 v39, v36;
	v40 =	vshra.s32 v61, $0x1F  }
0x7f: {  	v53 =	vshll.u32 v53, $0xC;
	v46 =	vshra.s32 v46, $0x1F;
	v49 =	vadd.s32 v49, v36  }
0x80: {  	vm14 =	vgt.s32 v50, $0x0;
	vm9 =	vgt.s32 v48, $0x0;
	vm10 =	vlt.s32 v50, $0x0  }
0x81: {  	v50 =	vshra.s32 v45, $0x1F;
	vm11 =	vlt.s32 v48, $0x0;
	v47 =	vadd.s32 v47, v36  }
0x82: {  	v48 =	vsel vm2, $0xFFFFFFFF, v55;
	v39 =	vadd.s32 v15, v39;
	v49 =	vadd.s32 v13, v49  }
0x83: {  	v43 =	vadd.s32 v43, v46;
	v44 =	vadd.s32 v53, v36;
	v62 =	vsel vm9, $0x1, v1  }
0x84: {  	v63 =	vsel vm14, $0x1, v1;
	v53 =	vsel vm6, $0x1, v1;
	v46 =	vsub.s32 v60, v34  }
0x85: {  	v47 =	vadd.s32 v17, v47;
	v60 =	vsel vm13, $0x1, v1;
	v42 =	vadd.s32 v42, v50  }
0x86: {  	v39 =	vshra.s32 v39, $0x1F;
	v61 =	vshra.s32 v49, $0x1F;
	v45 =	vsel vm15, $0xFFFFFFFF, v53  }
0x87: {  	v47 =	vshra.s32 v47, $0x1F;
	vm12 =	vgt.s32 v46, $0x0;
	v57 =	vsel vm10, $0xFFFFFFFF, v63  }
0x88: {  	vm14 =	vlt.s32 v46, $0x0;
	vm15 =	vlt.s32 v58, $0x0;
	v63 =	vsel vm3, $0x1, v1  }
0x89: {  	v58 =	vshll.u32 v48, $0xC;
	v51 =	vadd.s32 v61, v43;
	v43 =	vsel vm11, $0xFFFFFFFF, v62  }
0x8a: {  	v45 =	vshll.u32 v45, $0xC;
	v59 =	vsel vm12, $0x1, v1;
	v61 =	vsel vm15, $0xFFFFFFFF, v60  }
0x8b: {  	v56 =	vadd.s32 v45, v36;
	v45 =	vshll.u32 v57, $0xC;
	v43 =	vshll.u32 v43, $0xC  }
0x8c: {  	v59 =	vsel vm14, $0xFFFFFFFF, v59;
	v45 =	vadd.s32 v45, v36;
	v49 =	vadd.s32 v43, v36  }
0x8d: {  	v62 =	vadd.s32 v9, v56;
	v43 =	vshll.u32 v61, $0xC;
	v48 =	vshll.u32 v59, $0xC  }
0x8e: {  	v45 =	vadd.s32 v29, v45;
	v46 =	vshra.s32 v62, $0x1F;
	v56 =	vadd.s32 v43, v36  }
0x8f: {  	v43 =	vsel vm5, $0xFFFFFFFF, v63;
	v61 =	vadd.s32 v25, v49;
	v42 =	vadd.s32 v46, v42  }
0x90: {  	v62 =	vsel vm1, $0x1, v1;
	v42 =	vadd.s32 v47, v42;
	v47 =	vadd.s32 v58, v36  }
0x91: {  	v45 =	vshra.s32 v45, $0x1F;
	v57 =	vadd.s32 v3, v56;
	v60 =	vadd.s32 v21, v47  }
0x92: {  	v49 =	vsel vm0, $0xFFFFFFFF, v62;
	v46 =	vshra.s32 v57, $0x1F;
	v63 =	vshra.s32 v60, $0x1F  }
0x93: {  	s14 =	simm.s32 $0x40;
	v41 =	vadd.s32 v41, v46;
	v46 =	vshra.s32 v61, $0x1F;
	v47 =	vadd.s32 v63, v51  }
.LBB2_7:
0x94: {  	s15 =	sshra.s32 s14, $0x2;
	p2 =	sne.s32 s14, $0xC0;
	s14 =	sadd.s32 $0x40, s14;
	v48 =	vadd.s32 v48, v36;
	v49 =	vshll.u32 v49, $0xC;
	v50 =	vshll.u32 v43, $0xC;
	v51 =	vmovc v37  }
0x95: {  	v44 =	vadd.s32 v11, v44;
	v43 =	vld.idx.msk [tilespmem:v32+s15+$0x0 ss:$0x1], $0xffff;
	v48 =	vadd.s32 v7, v48;
	v49 =	vadd.s32 v49, v36  }
0x96: {  	v44 =	vshra.s32 v44, $0x1F;
	v48 =	vshra.s32 v48, $0x1F;
	v49 =	vadd.s32 v19, v49  }
0x97: {  	v41 =	vadd.s32 v44, v41;
	v35 =	vadd.s32 v35, v48;
	v44 =	vshra.s32 v49, $0x1F  }
0x98: {  	v36 =	vadd.s32 v36, v50;
	v35 =	vadd.s32 v39, v35;
	v39 =	vadd.s32 v44, v41  }
0x99: {  	v36 =	vshra.s32 v36, $0x1F;
	v35 =	vadd.s32 v40, v35;
	v41 =	vadd.s32 v38, v39  }
0x9a: {  	v42 =	vadd.s32 v46, v42;
	v44 =	vadd.s32 v45, v47;
	v35 =	vadd.s32 v36, v35  }
0x9b: {  	v37 =	vadd.s32 $0x10, v37;
	v38 =	vperm.xlane v43, v1;
	v39 =	vperm.xlane v43, v26  }
0x9c: {  	v36 =	vsub.s32 v51, v33;
	v40 =	vperm.xlane v43, v4;
	v45 =	vperm.xlane v43, v18  }
0x9d: {  	v46 =	vperm.xlane v43, v14;
	v38 =	vsub.s32 v38, v34;
	v39 =	vsub.s32 v39, v34  }
0x9e: {  	v40 =	vsub.s32 v40, v34;
	vm0 =	vgt.s32 v38, $0x0;
	vm1 =	vlt.s32 v39, $0x0  }
0x9f: {  	v47 =	vperm.xlane v43, v12;
	vm2 =	vgt.s32 v40, $0x0;
	vm3 =	vgt.s32 v39, $0x0  }
0xa0: {  	v48 =	vsel vm0, $0x1, v1;
	v49 =	vsel vm2, $0x1, v1;
	v39 =	vsel vm3, $0x1, v1  }
0xa1: {  	vm0 =	vlt.s32 v38, $0x0;
	v38 =	vsub.s32 v46, v34;
	v39 =	vsel vm1, $0xFFFFFFFF, v39  }
0xa2: {  	vm5 =	vlt.s32 v40, $0x0;
	v46 =	vsub.s32 v47, v34;
	v39 =	vshll.u32 v39, $0xC  }
0xa3: {  	v40 =	vperm.xlane v43, v10;
	v47 =	vperm.xlane v43, v20;
	vm1 =	vgt.s32 v38, $0x0  }
0xa4: {  	v50 =	vperm.xlane v43, v24;
	vm2 =	vlt.s32 v38, $0x0;
	v38 =	vadd.s32 v39, v36  }
0xa5: {  	v51 =	vperm.xlane v43, v22;
	v39 =	vsel vm1, $0x1, v1;
	v38 =	vadd.s32 v27, v38  }
0xa6: {  	v52 =	vperm.xlane v43, v8;
	v39 =	vsel vm2, $0xFFFFFFFF, v39;
	v38 =	vshra.s32 v38, $0x1F  }
0xa7: {  	v53 =	vperm.xlane v43, v16;
	v47 =	vsub.s32 v47, v34;
	v39 =	vshll.u32 v39, $0xC  }
0xa8: {  	v54 =	vperm.xlane v43, v2;
	v51 =	vsub.s32 v51, v34;
	v39 =	vadd.s32 v39, v36  }
0xa9: {  	v53 =	vsub.s32 v53, v34;
	vm1 =	vgt.s32 v51, $0x0;
	v39 =	vadd.s32 v15, v39  }
0xaa: {  	vm2 =	vgt.s32 v53, $0x0;
	v55 =	vsel vm1, $0x1, v1;
	v39 =	vshra.s32 v39, $0x1F  }
0xab: {  	vm1 =	vlt.s32 v51, $0x0;
	v51 =	vperm.xlane v43, v30;
	v56 =	vsel vm2, $0x1, v1  }
0xac: {  	vm3 =	vlt.s32 v53, $0x0;
	vm4 =	vgt.s32 v47, $0x0;
	vm2 =	vlt.s32 v47, $0x0  }
0xad: {  	v45 =	vsub.s32 v45, v34;
	v47 =	vsel vm0, $0xFFFFFFFF, v48;
	v48 =	vsel vm1, $0xFFFFFFFF, v55  }
0xae: {  	v52 =	vsub.s32 v52, v34;
	vm0 =	vlt.s32 v45, $0x0;
	v48 =	vshll.u32 v48, $0xC  }
0xaf: {  	vm6 =	vgt.s32 v52, $0x0;
	v51 =	vsub.s32 v51, v34;
	v48 =	vadd.s32 v48, v36  }
0xb0: {  	vm7 =	vlt.s32 v46, $0x0;
	v53 =	vsub.s32 v40, v34;
	vm1 =	vgt.s32 v45, $0x0  }
0xb1: {  	vm8 =	vgt.s32 v53, $0x0;
	v45 =	vshll.u32 v47, $0xC;
	v40 =	vadd.s32 v23, v48  }
0xb2: {  	v47 =	vsel vm3, $0xFFFFFFFF, v56;
	vm3 =	vgt.s32 v51, $0x0;
	v40 =	vshra.s32 v40, $0x1F  }
0xb3: {  	v47 =	vshll.u32 v47, $0xC;
	v48 =	vsub.s32 v50, v34;
	v50 =	vperm.xlane v43, v28  }
0xb4: {  	v49 =	vsel vm5, $0xFFFFFFFF, v49;
	vm5 =	vgt.s32 v46, $0x0;
	v55 =	vsel vm8, $0x1, v1  }
0xb5: {  	v46 =	vshll.u32 v49, $0xC;
	v49 =	vsel vm5, $0x1, v1;
	vm8 =	vlt.s32 v53, $0x0  }
0xb6: {  	v46 =	vadd.s32 v46, v36;
	v49 =	vsel vm7, $0xFFFFFFFF, v49;
	v53 =	vsel vm8, $0xFFFFFFFF, v55  }
0xb7: {  	v46 =	vadd.s32 v5, v46;
	v49 =	vshll.u32 v49, $0xC;
	v53 =	vshll.u32 v53, $0xC  }
0xb8: {  	v46 =	vshra.s32 v46, $0x1F;
	v49 =	vadd.s32 v49, v36;
	v45 =	vadd.s32 v45, v36  }
0xb9: {  	v49 =	vadd.s32 v13, v49;
	vm5 =	vlt.s32 v51, $0x0;
	v50 =	vsub.s32 v50, v34  }
0xba: {  	v44 =	vadd.s32 v44, v46;
	v46 =	vshra.s32 v49, $0x1F;
	v43 =	vperm.xlane v43, v6  }
0xbb: {  	v45 =	vadd.s32 v0, v45;
	v51 =	vadd.s32 v46, v44;
	vm7 =	vgt.s32 v50, $0x0  }
0xbc: {  	vm8 =	vlt.s32 v52, $0x0;
	vm9 =	vgt.s32 v48, $0x0;
	vm10 =	vlt.s32 v50, $0x0  }
0xbd: {  	v44 =	vadd.s32 v53, v36;
	v46 =	vsel vm9, $0x1, v1;
	v49 =	vsel vm7, $0x1, v1  }
0xbe: {  	v50 =	vshra.s32 v45, $0x1F;
	v45 =	vsel vm6, $0x1, v1;
	vm6 =	vlt.s32 v48, $0x0  }
0xbf: {  	v47 =	vadd.s32 v47, v36;
	v48 =	vsel vm4, $0x1, v1;
	v46 =	vsel vm6, $0xFFFFFFFF, v46  }
0xc0: {  	v47 =	vadd.s32 v17, v47;
	v43 =	vsub.s32 v43, v34;
	v45 =	vsel vm8, $0xFFFFFFFF, v45  }
0xc1: {  	v47 =	vshra.s32 v47, $0x1F;
	v48 =	vsel vm2, $0xFFFFFFFF, v48;
	v45 =	vshll.u32 v45, $0xC  }
0xc2: {  	vm2 =	vgt.s32 v43, $0x0;
	v52 =	vadd.s32 v45, v36;
	v45 =	vsel vm10, $0xFFFFFFFF, v49  }
0xc3: {  	v53 =	vsel vm2, $0x1, v1;
	v49 =	vsub.s32 v54, v34;
	v45 =	vshll.u32 v45, $0xC  }
0xc4: {  	vm4 =	vlt.s32 v43, $0x0;
	vm2 =	vgt.s32 v49, $0x0;
	v43 =	vadd.s32 v45, v36  }
0xc5: {  	v54 =	vsel vm2, $0x1, v1;
	v45 =	vshll.u32 v46, $0xC;
	v43 =	vadd.s32 v29, v43  }
0xc6: {  	vm2 =	vlt.s32 v49, $0x0;
	v46 =	vadd.s32 v45, v36;
	v45 =	vshra.s32 v43, $0x1F  }
0xc7: {  	v49 =	vadd.s32 v9, v52;
	v52 =	vsel vm3, $0x1, v1;
	v43 =	vsel vm2, $0xFFFFFFFF, v54  }
0xc8: {  	v42 =	vadd.s32 v42, v50;
	v49 =	vshra.s32 v49, $0x1F;
	v43 =	vshll.u32 v43, $0xC  }
0xc9: {  	v42 =	vadd.s32 v49, v42;
	v50 =	vadd.s32 v43, v36;
	v43 =	vsel vm5, $0xFFFFFFFF, v52  }
.Ltmp7:
0xca: {  	v42 =	vadd.s32 v47, v42;
	v47 =	vshll.u32 v48, $0xC;
	v49 =	vadd.s32 v3, v50;
	(pc) =	sbr.rel @p2 .LBB2_7-.Ltmp7, $4  }
0xcb: {  	v47 =	vadd.s32 v47, v36;
	v48 =	vshra.s32 v49, $0x1F;
	v49 =	vsel vm4, $0xFFFFFFFF, v53  }
0xcc: {  	v46 =	vadd.s32 v25, v46;
	v47 =	vadd.s32 v21, v47;
	v41 =	vadd.s32 v41, v48  }
0xcd: {  	v46 =	vshra.s32 v46, $0x1F;
	v50 =	vsel vm1, $0x1, v1;
	v47 =	vshra.s32 v47, $0x1F  }
0xce: {  	v48 =	vshll.u32 v49, $0xC;
	v49 =	vsel vm0, $0xFFFFFFFF, v50;
	v47 =	vadd.s32 v47, v51  }
0xcf: {  	v37 =	vadd.s32 v48, v36;
	v60 =	vshll.u32 v49, $0xC;
	v43 =	vshll.u32 v43, $0xC  }
0xd0: {  	v44 =	vadd.s32 v11, v44;
	v37 =	vadd.s32 v7, v37;
	v48 =	vadd.s32 v60, v36  }
.Ltmp8:
0xd1: {  	v44 =	vshra.s32 v44, $0x1F;
	v37 =	vshra.s32 v37, $0x1F;
	v48 =	vadd.s32 v19, v48;
	(pc) =	sbr.rel @p1 .LBB2_12-.Ltmp8, $4  }
0xd2: {  	v61 =	vadd.s32 v44, v41;
	v35 =	vadd.s32 v35, v37;
	v62 =	vshra.s32 v48, $0x1F  }
0xd3: {  	v63 =	vadd.s32 v36, v43;
	v35 =	vadd.s32 v39, v35;
	v37 =	vadd.s32 v62, v61  }
0xd4: {  	v36 =	vshra.s32 v63, $0x1F;
	v35 =	vadd.s32 v40, v35;
	v43 =	vadd.s32 v38, v37  }
0xd5: {  	v37 =	vadd.s32 v46, v42;
	v38 =	vadd.s32 v45, v47;
	v35 =	vadd.s32 v36, v35  }
0xd6: {  	v42 =	vld [tilespmem:s8+$0x0];
	_ =	sdelay $0x4  }
0xd7: {  	v36 =	vperm.xlane v42, v1;
	v39 =	vperm.xlane v42, v28  }
0xd8: {  	v40 =	vperm.xlane v42, v4;
	v41 =	vperm.xlane v42, v26  }
0xd9: {  	v45 =	vperm.xlane v42, v8;
	v59 =	vperm.xlane v42, v12  }
0xda: {  	v46 =	vperm.xlane v42, v20;
	v47 =	vperm.xlane v42, v2  }
0xdb: {  	v55 =	vperm.xlane v42, v24;
	v56 =	vperm.xlane v42, v10  }
0xdc: {  	v50 =	vperm.xlane v42, v18;
	v52 =	vperm.xlane v42, v6;
	v44 =	vsub.s32 v36, v34  }
0xdd: {  	v57 =	vsub.s32 v39, v34;
	v58 =	vsub.s32 v40, v34;
	v48 =	vsub.s32 v59, v34  }
0xde: {  	v60 =	vsub.s32 v41, v34;
	v62 =	vsub.s32 v45, v34;
	v40 =	vperm.xlane v42, v22  }
0xdf: {  	v63 =	vsub.s32 v46, v34;
	v47 =	vsub.s32 v47, v34;
	v51 =	vsub.s32 v55, v34  }
0xe0: {  	v53 =	vsub.s32 v56, v34;
	v36 =	vshra.s32 v57, $0x1F;
	v44 =	vshra.s32 v44, $0x1F  }
0xe1: {  	v39 =	vshra.s32 v58, $0x1F;
	v57 =	vperm.xlane v42, v30;
	v58 =	vshra.s32 v47, $0x1F  }
0xe2: {  	s14 =	sadd.s32 $0x1, s7;
	v59 =	vshra.s32 v63, $0x1F;
	v63 =	vshra.s32 v48, $0x1F;
	v61 =	vadd.s32 v37, v44  }
0xe3: {  	p2 =	slt.u32 s14, $0x7F;
	v49 =	vadd.s32 v38, v39;
	v37 =	vshra.s32 v60, $0x1F;
	v39 =	vperm.xlane v42, v16  }
.Ltmp9:
0xe4: {  	v38 =	vshra.s32 v62, $0x1F;
	v44 =	vperm.xlane v42, v14;
	v43 =	vadd.s32 v43, v58;
	(pc) =	sbr.rel @!p2 .LBB2_11-.Ltmp9, $4  }
0xe5: {  	v60 =	vshra.s32 v53, $0x1F;
	v62 =	vsub.s32 v52, v34;
	v38 =	vadd.s32 v38, v61  }
0xe6: {  	v41 =	vsub.s32 v57, v34;
	v61 =	vsub.s32 v50, v34;
	v43 =	vadd.s32 v60, v43  }
0xe7: {  	v46 =	vshra.s32 v62, $0x1F;
	v45 =	vadd.s32 v63, v49;
	v47 =	vshra.s32 v61, $0x1F  }
0xe8: {  	s15 =	sadd.s32 $0x10, s8;
	v42 =	vadd.s32 v59, v45;
	v45 =	vshra.s32 v51, $0x1F;
	v43 =	vadd.s32 v47, v43  }
.LBB2_10:
0xe9: {  	v47 =	vld [tilespmem:s15+$0x0];
	s14 =	sadd.s32 $0x1, s14;
	v44 =	vsub.s32 v44, v34;
	v39 =	vsub.s32 v39, v34;
	v40 =	vsub.s32 v40, v34  }
0xea: {  	v35 =	vadd.s32 v35, v46;
	p2 =	slt.u32 s14, $0x7F;
	v44 =	vshra.s32 v44, $0x1F;
	v39 =	vshra.s32 v39, $0x1F  }
0xeb: {  	v35 =	vadd.s32 v44, v35;
	v38 =	vadd.s32 v39, v38;
	v39 =	vshra.s32 v40, $0x1F  }
0xec: {  	v43 =	vadd.s32 v37, v43;
	v37 =	vshra.s32 v41, $0x1F;
	v35 =	vadd.s32 v39, v35  }
0xed: {  	v38 =	vadd.s32 v45, v38;
	v39 =	vadd.s32 v36, v42;
	v35 =	vadd.s32 v37, v35  }
0xee: {  	v36 =	vperm.xlane v47, v1;
	v37 =	vperm.xlane v47, v28  }
0xef: {  	v40 =	vperm.xlane v47, v4;
	v41 =	vperm.xlane v47, v26  }
0xf0: {  	v44 =	vperm.xlane v47, v8;
	v42 =	vsub.s32 v36, v34;
	v36 =	vsub.s32 v37, v34  }
0xf1: {  	v37 =	vsub.s32 v40, v34;
	v40 =	vperm.xlane v47, v12;
	v36 =	vshra.s32 v36, $0x1F  }
0xf2: {  	v45 =	vperm.xlane v47, v20;
	v42 =	vshra.s32 v42, $0x1F;
	v37 =	vshra.s32 v37, $0x1F  }
0xf3: {  	v46 =	vperm.xlane v47, v2;
	v48 =	vsub.s32 v40, v34;
	v40 =	vsub.s32 v41, v34  }
0xf4: {  	v38 =	vadd.s32 v38, v42;
	v42 =	vadd.s32 v39, v37;
	v37 =	vshra.s32 v40, $0x1F  }
0xf5: {  	v41 =	vsub.s32 v44, v34;
	v39 =	vperm.xlane v47, v16;
	v40 =	vperm.xlane v47, v22  }
0xf6: {  	v45 =	vsub.s32 v45, v34;
	v44 =	vperm.xlane v47, v24;
	v41 =	vshra.s32 v41, $0x1F  }
0xf7: {  	v49 =	vperm.xlane v47, v30;
	v38 =	vadd.s32 v41, v38;
	v41 =	vperm.xlane v47, v10  }
0xf8: {  	v50 =	vperm.xlane v47, v18;
	v46 =	vsub.s32 v46, v34;
	v51 =	vsub.s32 v44, v34  }
0xf9: {  	v52 =	vperm.xlane v47, v6;
	v53 =	vsub.s32 v41, v34;
	v41 =	vsub.s32 v49, v34  }
.Ltmp10:
0xfa: {  	v46 =	vshra.s32 v46, $0x1F;
	v45 =	vshra.s32 v45, $0x1F;
	v44 =	vperm.xlane v47, v14;
	(pc) =	sbr.rel @p2 .LBB2_10-.Ltmp10, $4  }
0xfb: {  	v43 =	vadd.s32 v43, v46;
	v47 =	vsub.s32 v50, v34;
	v46 =	vshra.s32 v53, $0x1F  }
0xfc: {  	v48 =	vshra.s32 v48, $0x1F;
	v49 =	vsub.s32 v52, v34;
	v43 =	vadd.s32 v46, v43  }
0xfd: {  	v42 =	vadd.s32 v48, v42;
	v47 =	vshra.s32 v47, $0x1F;
	v46 =	vshra.s32 v49, $0x1F  }
0xfe: {  	s15 =	sadd.s32 $0x10, s15;
	v42 =	vadd.s32 v45, v42;
	v45 =	vshra.s32 v51, $0x1F;
	v43 =	vadd.s32 v47, v43  }
.Ltmp11:
0xff: {  	_ = 	snop;
	(pc) =	sbr.rel .LBB2_11-.Ltmp11, $1  }
0x100: {  	_ =	sdelay $0x3  }
.LBB2_14:
0x101: {  	_ =	sfence.sel $0x180000  }
0x102: {  	[bflag:$0x0] =	sbarrier.arrive $0xFFFF  }
0x103: {  	p0 =	sne.s32 s0, $0x0;
	_ =	strace $0x90000047  }
0x104: {  	s0 =	sadd.s32 @!p0 $0x100000, s2;
	[bflag:$0x2] =	sbarrier.arrive $0xFFFF  }
0x105: {  	[sflag:s0] =	ssyncadd.tile.s32 @!p0 $0x1;
	_ =	shalt  }
.Lfunc_end2:
_tile_overlayer_lowered:
.L_overlay_start_2:
0x106: {  	(tag) =	ssettag $0x2  }
0x107: {  	s0 =	rddreg [dreg:$0x0];
	s2 =	stileid.u32  }
0x108: {  	s1 =	rddreg [dreg:$0x1];
	p0 =	sne.s32 s2, $0x0  }
0x109: {  	s3 =	rddreg [dreg:$0x2];
	[bflag:$0x3] =	sbarrier.arrive $0xFFFF;
	s2 =	simm.s32 @!p0 $0x1C01  }
0x10a: {  	[timem:s3], [sflag:s2] =	dma.local @!p0 [hbm:s0], s1  }
0x10b: {  	s0 =	simm.s32 @!p0 $0x1  }
0x10c: {  	_ =	swait.ge @!p0 [sflag:s0], s1  }
0x10d: {  	s1 =	ssub.s32 @!p0 $0x0, s1;
	[sflag:s0] =	ssyncset.done @!p0 $0x0  }
0x10e: {  	[sflag:s0] =	ssyncadd.s32 @!p0 s1  }
0x10f: {  	[bflag:$0x3] =	sbarrier.arrive $0xFFFF  }
0x110: {  	_ =	shalt  }

</sc_bundles>
